<compile_context>
chip_gen: v7x
topology: tpu7x:2x2x1
jax: 0.10.2.dev20260603
libtpu: 0.0.44.dev20260713+nightly
codegen_flags: <defaults>
</compile_context>

<pallas_src>
import functools

import jax
import jax.numpy as jnp
from jax import lax
from jax.experimental import pallas as pl
from jax.experimental.pallas import tpu as pltpu
from jax.experimental.pallas import tpu_sc as plsc

_LANES = 16
_NUM_CORES = 2
_NUM_SUBCORES = 16
_NUM_WORKERS = _NUM_CORES * _NUM_SUBCORES


def _fold_body(et_ref, wt_ref, b_ref, o_ref):
    at = lax.dot_general(
        wt_ref[...], et_ref[...],
        dimension_numbers=(((1,), (0,)), ((), ())),
        preferred_element_type=jnp.float32,
    ) + b_ref[...]
    bits = lax.bitcast_convert_type(at.astype(jnp.bfloat16), jnp.uint16)
    u = bits.astype(jnp.uint32)
    packed = (u[1:2, :] << 16) | u[0:1, :]
    o_ref[...] = lax.bitcast_convert_type(packed, jnp.int32)


def _fold_table(emb_t, w_t, b2d):
    D, V = emb_t.shape
    C = w_t.shape[0]
    RB = 15360
    return pl.pallas_call(
        _fold_body,
        grid=(pl.cdiv(V, RB),),
        in_specs=[
            pl.BlockSpec((D, RB), lambda i: (0, i)),
            pl.BlockSpec((C, D), lambda i: (0, 0)),
            pl.BlockSpec((C, 1), lambda i: (0, 0)),
        ],
        out_specs=pl.BlockSpec((1, RB), lambda i: (0, i)),
        out_shape=jax.ShapeDtypeStruct((1, V), jnp.int32),
    )(emb_t, w_t, b2d)


def _make_bag_kernel(V, C, B, L):
    assert C == 2 and B % (_NUM_WORKERS * _LANES) == 0 and L % 8 == 0
    bags_per_worker = B // _NUM_WORKERS
    n_chunks = 4
    chunk_bags = bags_per_worker // n_chunks
    groups_per_chunk = chunk_bags // _LANES
    inv_l = 1.0 / float(L)

    mesh = plsc.VectorSubcoreMesh(core_axis_name="c", subcore_axis_name="s")

    @functools.partial(
        pl.kernel,
        out_type=jax.ShapeDtypeStruct((C, B), jnp.float32),
        mesh=mesh,
        scratch_types=[
            pltpu.VMEM((V,), jnp.int32),
            pltpu.VMEM((L, chunk_bags), jnp.int32),
            pltpu.VMEM((L, chunk_bags), jnp.int32),
            pltpu.VMEM((C * bags_per_worker,), jnp.float32),
            pltpu.VMEM_SHARED((V,), jnp.int32),
            pltpu.SemaphoreType.DMA,
            pltpu.SemaphoreType.DMA,
            pltpu.SemaphoreType.DMA,
        ],
        compiler_params=pltpu.CompilerParams(needs_layout_passes=False),
    )
    def bag_kernel(a_hbm, t_hbm, o_hbm, a_v, t_v0, t_v1, o_v, a_sh,
                   sem0, sem1, sem_a):
        sid = lax.axis_index("s")
        wid = sid * _NUM_CORES + lax.axis_index("c")
        base = wid * bags_per_worker

        t_bufs = (t_v0, t_v1)
        sems = (sem0, sem1)

        def start_chunk(ci):
            src = t_hbm.at[:, pl.ds(base + ci * chunk_bags, chunk_bags)]
            return pltpu.async_copy(src, t_bufs[ci % 2], sems[ci % 2])

        pending = start_chunk(0)

        @pl.when(sid == 0)
        def _stage_table():
            pltpu.sync_copy(a_hbm.at[0, :], a_sh)

        plsc.subcore_barrier()
        a_cp = pltpu.async_copy(a_sh, a_v, sem_a)

        himask = jnp.full((_LANES,), -65536, jnp.int32)
        zacc = jnp.zeros((_LANES,), jnp.float32)

        a_cp.wait()

        for ci in range(n_chunks):
            pending.wait()
            if ci + 1 < n_chunks:
                pending = start_chunk(ci + 1)
            tbuf = t_bufs[ci % 2]

            def group(g, carry, tbuf=tbuf, ci=ci):
                col0 = g * _LANES

                def step(t, accs):
                    acc0, acc1 = accs
                    idx = tbuf[t, pl.ds(col0, _LANES)]
                    w = plsc.load_gather(a_v, [idx])
                    lo = plsc.bitcast(w << 16, jnp.float32)
                    hi = plsc.bitcast(w & himask, jnp.float32)
                    return acc0 + lo, acc1 + hi

                acc0, acc1 = lax.fori_loop(0, L, step, (zacc, zacc), unroll=8)
                obag = (ci * groups_per_chunk + g) * _LANES + lax.iota(jnp.int32, _LANES)
                plsc.store_scatter(o_v, [obag], acc0 * inv_l)
                plsc.store_scatter(o_v, [obag + bags_per_worker], acc1 * inv_l)
                return carry

            lax.fori_loop(0, groups_per_chunk, group, 0)

        pltpu.sync_copy(o_v.at[pl.ds(0, bags_per_worker)],
                        o_hbm.at[0, pl.ds(base, bags_per_worker)])
        pltpu.sync_copy(o_v.at[pl.ds(bags_per_worker, bags_per_worker)],
                        o_hbm.at[1, pl.ds(base, bags_per_worker)])

    return bag_kernel


def kernel(texts, emb_table, W, b):
    V, D = emb_table.shape
    C = W.shape[1]
    B, L = texts.shape
    A = _fold_table(emb_table.T, W.T, b.reshape(C, 1))
    bag = _make_bag_kernel(V, C, B, L)
    out_planar = bag(A, texts.astype(jnp.int32).T)
    return out_planar.T

# --- scband reference (transcript-rebuilt; emitter-appended) ---
"""Pipeline reference for scband-bag-of-embeddings-52235392254242 (READ-ONLY COPY).

The authoritative reference and input builder live on the scoring server;
editing this copy changes nothing except your own understanding.
"""

import jax, jax.numpy as jnp
import numpy as np

VOCAB = 30522
EMBED_DIM = 64
NUM_CLASS = 2
BATCH = 16384
HIST = 200


def setup_inputs(seed: int = 0) -> dict:
    key = jax.random.key(seed)
    k1, k2, k3, k4 = jax.random.split(key, 4)
    texts = jax.random.randint(k1, (BATCH, HIST), 0, VOCAB, dtype=jnp.int64 if jax.config.jax_enable_x64 else jnp.int32)
    emb_table = jax.random.normal(k2, (VOCAB, EMBED_DIM), dtype=jnp.float32) * 0.02
    W = jax.random.normal(k3, (EMBED_DIM, NUM_CLASS), dtype=jnp.float32) * 0.02
    b = jnp.zeros((NUM_CLASS,), dtype=jnp.float32)
    return {"texts": texts, "emb_table": emb_table, "W": W, "b": b}


def reference(texts, emb_table, W, b):
    # nn.EmbeddingBag default mode='mean': gather rows then mean over bag (seq) dim
    gathered = jnp.take(emb_table, texts, axis=0)       # [B, L, D]
    embedded = jnp.mean(gathered, axis=1)                # [B, D]
    # dropout is identity at inference
    logits = embedded @ W + b                            # [B, num_class]
    return logits

if __name__ == "__main__":
    import jax
    _d = setup_inputs()
    print(jax.jit(kernel)(*tuple(_d.values())))

</pallas_src>

<mosaic_0001>
#map = affine_map<(d0, d1) -> (0, 0)>
module attributes {stable_mosaic.version = 14 : i64} {
  func.func @bag_kernel(%arg0: i32, %arg1: i32, %arg2: memref<1x30522xi32, #tpu.memory_space<hbm>>, %arg3: memref<200x16384xi32, #tpu.memory_space<hbm>>, %arg4: memref<2x16384xf32, #tpu.memory_space<hbm>>, %arg5: memref<30522xi32, #tpu.memory_space<vmem>>, %arg6: memref<200x128xi32, #tpu.memory_space<vmem>>, %arg7: memref<200x128xi32, #tpu.memory_space<vmem>>, %arg8: memref<1024xf32, #tpu.memory_space<vmem>>, %arg9: memref<30522xi32, #tpu.memory_space<vmem_shared>>, %arg10: memref<!tpu.dma_semaphore, #tpu.memory_space<semaphore_mem>>, %arg11: memref<!tpu.dma_semaphore, #tpu.memory_space<semaphore_mem>>, %arg12: memref<!tpu.dma_semaphore, #tpu.memory_space<semaphore_mem>>) attributes {dimension_semantics = [#tpu.dimension_semantics<core_parallel>, #tpu.dimension_semantics<subcore_parallel>], iteration_bounds = array<i64: 2, 16>, scalar_prefetch = 0 : i64, scratch_operands = 8 : i64, tpu.core_type = #tpu.core_type<sc_vector_subcore>, window_params = [{transform_indices = #map}, {transform_indices = #map}, {transform_indices = #map}]} {
    %mul3A = arith.constant 2 : i32
    %mul3A_0 = arith.muli %arg1, %mul3A : i32
    %add3A = arith.addi %mul3A_0, %arg0 : i32
    %mul3A_1 = arith.constant 512 : i32
    %mul3A_2 = arith.muli %add3A, %mul3A_1 : i32
    %add3A_3 = arith.constant 0 : i32
    %add3A_4 = arith.addi %mul3A_2, %add3A_3 : i32
    %dma_start3A = arith.constant 0 : i32
    %dma_start3A_5 = tpu.memref_slice %arg3[%dma_start3A, %add3A_4] : memref<200x16384xi32, #tpu.memory_space<hbm>> -> memref<200x128xi32, #tpu.memory_space<hbm>>
    %dma_start3A_6 = arith.constant 0 : i32
    %dma_start3A_7 = tpu.memref_slice %arg3[%dma_start3A_6, %add3A_4] : memref<200x16384xi32, #tpu.memory_space<hbm>> -> memref<200x128xi32, #tpu.memory_space<hbm>>
    tpu.enqueue_dma source(%dma_start3A_7 : memref<200x128xi32, #tpu.memory_space<hbm>>) target(%arg6 : memref<200x128xi32, #tpu.memory_space<vmem>>) target_semaphore(%arg10 : memref<!tpu.dma_semaphore, #tpu.memory_space<semaphore_mem>>)
    %eq3A = arith.constant 0 : i32
    %eq3A_8 = arith.cmpi eq, %arg1, %eq3A : i32
    %convert_element_type3A = arith.extui %eq3A_8 : i1 to i32
    %cond3A = arith.constant 0 : i32
    %cond3A_9 = arith.cmpi ne, %convert_element_type3A, %cond3A : i32
    scf.if %cond3A_9 {
      %run_scoped3A_70 = arith.constant 0 : i32
      "tpu.region"() ({
        %run_scoped3A_71 = tpu.sem_alloc : memref<!tpu.dma_semaphore, #tpu.memory_space<semaphore_mem>>
        %dma_start3A_72 = arith.constant 0 : i32
        %dma_start3A_73 = tpu.memref_slice %arg2[%run_scoped3A_70, %dma_start3A_72] : memref<1x30522xi32, #tpu.memory_space<hbm>> -> memref<1x30522xi32, #tpu.memory_space<hbm>>
        %dma_start3A_74 = tpu.memref_squeeze %dma_start3A_73 : memref<1x30522xi32, #tpu.memory_space<hbm>> -> memref<30522xi32, #tpu.memory_space<hbm>>
        tpu.enqueue_dma source(%dma_start3A_74 : memref<30522xi32, #tpu.memory_space<hbm>>) target(%arg9 : memref<30522xi32, #tpu.memory_space<vmem_shared>>) target_semaphore(%run_scoped3A_71 : memref<!tpu.dma_semaphore, #tpu.memory_space<semaphore_mem>>)
        %dma_wait3A_75 = arith.constant 0 : i32
        %dma_wait3A_76 = tpu.memref_slice %arg2[%run_scoped3A_70, %dma_wait3A_75] : memref<1x30522xi32, #tpu.memory_space<hbm>> -> memref<1x30522xi32, #tpu.memory_space<hbm>>
        %dma_wait3A_77 = tpu.memref_squeeze %dma_wait3A_76 : memref<1x30522xi32, #tpu.memory_space<hbm>> -> memref<30522xi32, #tpu.memory_space<hbm>>
        tpu.wait_dma2 semaphore(%run_scoped3A_71 : memref<!tpu.dma_semaphore, #tpu.memory_space<semaphore_mem>>) src(%dma_wait3A_77 : memref<30522xi32, #tpu.memory_space<hbm>>) dst(%arg9 : memref<30522xi32, #tpu.memory_space<vmem_shared>>)
        tpu.yield
      }) : () -> ()
    } else {
    }
    %barrier3A = arith.constant 0 : index
    tpu.barrier barrier_id(%barrier3A)
    tpu.enqueue_dma source(%arg9 : memref<30522xi32, #tpu.memory_space<vmem_shared>>) target(%arg5 : memref<30522xi32, #tpu.memory_space<vmem>>) target_semaphore(%arg12 : memref<!tpu.dma_semaphore, #tpu.memory_space<semaphore_mem>>)
    %broadcast_in_dim3A = arith.constant -65536 : i32
    %broadcast_in_dim3A_10 = vector.broadcast %broadcast_in_dim3A : i32 to vector<16xi32>
    %broadcast_in_dim3A_11 = arith.constant 0.000000e+00 : f32
    %broadcast_in_dim3A_12 = vector.broadcast %broadcast_in_dim3A_11 : f32 to vector<16xf32>
    tpu.wait_dma2 semaphore(%arg12 : memref<!tpu.dma_semaphore, #tpu.memory_space<semaphore_mem>>) src(%arg9 : memref<30522xi32, #tpu.memory_space<vmem_shared>>) dst(%arg5 : memref<30522xi32, #tpu.memory_space<vmem>>)
    %dma_wait3A = arith.constant 0 : i32
    %dma_wait3A_13 = tpu.memref_slice %arg3[%dma_wait3A, %add3A_4] : memref<200x16384xi32, #tpu.memory_space<hbm>> -> memref<200x128xi32, #tpu.memory_space<hbm>>
    %dma_wait3A_14 = arith.constant 0 : i32
    %dma_wait3A_15 = tpu.memref_slice %arg3[%dma_wait3A_14, %add3A_4] : memref<200x16384xi32, #tpu.memory_space<hbm>> -> memref<200x128xi32, #tpu.memory_space<hbm>>
    tpu.wait_dma2 semaphore(%arg10 : memref<!tpu.dma_semaphore, #tpu.memory_space<semaphore_mem>>) src(%dma_wait3A_15 : memref<200x128xi32, #tpu.memory_space<hbm>>) dst(%arg6 : memref<200x128xi32, #tpu.memory_space<vmem>>)
    %add3A_16 = arith.constant 128 : i32
    %add3A_17 = arith.addi %mul3A_2, %add3A_16 : i32
    %dma_start3A_18 = arith.constant 0 : i32
    %dma_start3A_19 = tpu.memref_slice %arg3[%dma_start3A_18, %add3A_17] : memref<200x16384xi32, #tpu.memory_space<hbm>> -> memref<200x128xi32, #tpu.memory_space<hbm>>
    %dma_start3A_20 = arith.constant 0 : i32
    %dma_start3A_21 = tpu.memref_slice %arg3[%dma_start3A_20, %add3A_17] : memref<200x16384xi32, #tpu.memory_space<hbm>> -> memref<200x128xi32, #tpu.memory_space<hbm>>
    tpu.enqueue_dma source(%dma_start3A_21 : memref<200x128xi32, #tpu.memory_space<hbm>>) target(%arg7 : memref<200x128xi32, #tpu.memory_space<vmem>>) target_semaphore(%arg11 : memref<!tpu.dma_semaphore, #tpu.memory_space<semaphore_mem>>)
    %scan3A = arith.constant 0 : i32
    %scan3A_22 = arith.constant 0 : i32
    %scan3A_23 = arith.constant 8 : i32
    %scan3A_24 = arith.addi %scan3A_22, %scan3A_23 : i32
    %scan3A_25 = arith.constant 1 : i32
    scf.for %scan3A_70 = %scan3A_22 to %scan3A_24 step %scan3A_25  : i32 {
      %mul3A_71 = arith.constant 16 : i32
      %mul3A_72 = arith.muli %scan3A_70, %mul3A_71 : i32
      %scan3A_73 = arith.constant 0 : i32
      %scan3A_74 = arith.constant 200 : i32
      %scan3A_75 = arith.addi %scan3A_73, %scan3A_74 : i32
      %scan3A_76 = arith.constant 8 : i32
      %scan3A_77:2 = scf.for %scan3A_94 = %scan3A_73 to %scan3A_75 step %scan3A_76 iter_args(%scan3A_95 = %broadcast_in_dim3A_12, %scan3A_96 = %broadcast_in_dim3A_12) -> (vector<16xf32>, vector<16xf32>)  : i32 {
        %get3A = arith.index_cast %scan3A_94 : i32 to index
        %get3A_97 = arith.index_cast %mul3A_72 : i32 to index
        %get3A_98 = tpu.vector_load %arg6[%get3A, %get3A_97] {strides = array<i32>} : memref<200x128xi32, #tpu.memory_space<vmem>>, vector<16xi32>,
        %gather3A = tpu.vector_load_idx %arg5[%get3A_98] : memref<30522xi32, #tpu.memory_space<vmem>>[vector<16xi32>], vector<16xi32>,
        %shift_left3A = arith.constant 16 : i32
        %shift_left3A_99 = vector.broadcast %shift_left3A : i32 to vector<16xi32>
        %shift_left3A_100 = arith.shli %gather3A, %shift_left3A_99 : vector<16xi32>
        %bitcast3A = vector.bitcast %shift_left3A_100 : vector<16xi32> to vector<16xf32>
        %and3A = arith.andi %gather3A, %broadcast_in_dim3A_10 : vector<16xi32>
        %bitcast3A_101 = vector.bitcast %and3A : vector<16xi32> to vector<16xf32>
        %add3A_102 = arith.addf %scan3A_95, %bitcast3A : vector<16xf32>
        %add3A_103 = arith.addf %scan3A_96, %bitcast3A_101 : vector<16xf32>
        %scan3A_104 = arith.constant 1 : i32
        %scan3A_105 = arith.addi %scan3A_94, %scan3A_104 : i32
        %get3A_106 = arith.index_cast %scan3A_105 : i32 to index
        %get3A_107 = arith.index_cast %mul3A_72 : i32 to index
        %get3A_108 = tpu.vector_load %arg6[%get3A_106, %get3A_107] {strides = array<i32>} : memref<200x128xi32, #tpu.memory_space<vmem>>, vector<16xi32>,
        %gather3A_109 = tpu.vector_load_idx %arg5[%get3A_108] : memref<30522xi32, #tpu.memory_space<vmem>>[vector<16xi32>], vector<16xi32>,
        %shift_left3A_110 = arith.constant 16 : i32
        %shift_left3A_111 = vector.broadcast %shift_left3A_110 : i32 to vector<16xi32>
        %shift_left3A_112 = arith.shli %gather3A_109, %shift_left3A_111 : vector<16xi32>
        %bitcast3A_113 = vector.bitcast %shift_left3A_112 : vector<16xi32> to vector<16xf32>
        %and3A_114 = arith.andi %gather3A_109, %broadcast_in_dim3A_10 : vector<16xi32>
        %bitcast3A_115 = vector.bitcast %and3A_114 : vector<16xi32> to vector<16xf32>
        %add3A_116 = arith.addf %add3A_102, %bitcast3A_113 : vector<16xf32>
        %add3A_117 = arith.addf %add3A_103, %bitcast3A_115 : vector<16xf32>
        %scan3A_118 = arith.constant 2 : i32
        %scan3A_119 = arith.addi %scan3A_94, %scan3A_118 : i32
        %get3A_120 = arith.index_cast %scan3A_119 : i32 to index
        %get3A_121 = arith.index_cast %mul3A_72 : i32 to index
        %get3A_122 = tpu.vector_load %arg6[%get3A_120, %get3A_121] {strides = array<i32>} : memref<200x128xi32, #tpu.memory_space<vmem>>, vector<16xi32>,
        %gather3A_123 = tpu.vector_load_idx %arg5[%get3A_122] : memref<30522xi32, #tpu.memory_space<vmem>>[vector<16xi32>], vector<16xi32>,
        %shift_left3A_124 = arith.constant 16 : i32
        %shift_left3A_125 = vector.broadcast %shift_left3A_124 : i32 to vector<16xi32>
        %shift_left3A_126 = arith.shli %gather3A_123, %shift_left3A_125 : vector<16xi32>
        %bitcast3A_127 = vector.bitcast %shift_left3A_126 : vector<16xi32> to vector<16xf32>
        %and3A_128 = arith.andi %gather3A_123, %broadcast_in_dim3A_10 : vector<16xi32>
        %bitcast3A_129 = vector.bitcast %and3A_128 : vector<16xi32> to vector<16xf32>
        %add3A_130 = arith.addf %add3A_116, %bitcast3A_127 : vector<16xf32>
        %add3A_131 = arith.addf %add3A_117, %bitcast3A_129 : vector<16xf32>
        %scan3A_132 = arith.constant 3 : i32
        %scan3A_133 = arith.addi %scan3A_94, %scan3A_132 : i32
        %get3A_134 = arith.index_cast %scan3A_133 : i32 to index
        %get3A_135 = arith.index_cast %mul3A_72 : i32 to index
        %get3A_136 = tpu.vector_load %arg6[%get3A_134, %get3A_135] {strides = array<i32>} : memref<200x128xi32, #tpu.memory_space<vmem>>, vector<16xi32>,
        %gather3A_137 = tpu.vector_load_idx %arg5[%get3A_136] : memref<30522xi32, #tpu.memory_space<vmem>>[vector<16xi32>], vector<16xi32>,
        %shift_left3A_138 = arith.constant 16 : i32
        %shift_left3A_139 = vector.broadcast %shift_left3A_138 : i32 to vector<16xi32>
        %shift_left3A_140 = arith.shli %gather3A_137, %shift_left3A_139 : vector<16xi32>
        %bitcast3A_141 = vector.bitcast %shift_left3A_140 : vector<16xi32> to vector<16xf32>
        %and3A_142 = arith.andi %gather3A_137, %broadcast_in_dim3A_10 : vector<16xi32>
        %bitcast3A_143 = vector.bitcast %and3A_142 : vector<16xi32> to vector<16xf32>
        %add3A_144 = arith.addf %add3A_130, %bitcast3A_141 : vector<16xf32>
        %add3A_145 = arith.addf %add3A_131, %bitcast3A_143 : vector<16xf32>
        %scan3A_146 = arith.constant 4 : i32
        %scan3A_147 = arith.addi %scan3A_94, %scan3A_146 : i32
        %get3A_148 = arith.index_cast %scan3A_147 : i32 to index
        %get3A_149 = arith.index_cast %mul3A_72 : i32 to index
        %get3A_150 = tpu.vector_load %arg6[%get3A_148, %get3A_149] {strides = array<i32>} : memref<200x128xi32, #tpu.memory_space<vmem>>, vector<16xi32>,
        %gather3A_151 = tpu.vector_load_idx %arg5[%get3A_150] : memref<30522xi32, #tpu.memory_space<vmem>>[vector<16xi32>], vector<16xi32>,
        %shift_left3A_152 = arith.constant 16 : i32
        %shift_left3A_153 = vector.broadcast %shift_left3A_152 : i32 to vector<16xi32>
        %shift_left3A_154 = arith.shli %gather3A_151, %shift_left3A_153 : vector<16xi32>
        %bitcast3A_155 = vector.bitcast %shift_left3A_154 : vector<16xi32> to vector<16xf32>
        %and3A_156 = arith.andi %gather3A_151, %broadcast_in_dim3A_10 : vector<16xi32>
        %bitcast3A_157 = vector.bitcast %and3A_156 : vector<16xi32> to vector<16xf32>
        %add3A_158 = arith.addf %add3A_144, %bitcast3A_155 : vector<16xf32>
        %add3A_159 = arith.addf %add3A_145, %bitcast3A_157 : vector<16xf32>
        %scan3A_160 = arith.constant 5 : i32
        %scan3A_161 = arith.addi %scan3A_94, %scan3A_160 : i32
        %get3A_162 = arith.index_cast %scan3A_161 : i32 to index
        %get3A_163 = arith.index_cast %mul3A_72 : i32 to index
        %get3A_164 = tpu.vector_load %arg6[%get3A_162, %get3A_163] {strides = array<i32>} : memref<200x128xi32, #tpu.memory_space<vmem>>, vector<16xi32>,
        %gather3A_165 = tpu.vector_load_idx %arg5[%get3A_164] : memref<30522xi32, #tpu.memory_space<vmem>>[vector<16xi32>], vector<16xi32>,
        %shift_left3A_166 = arith.constant 16 : i32
        %shift_left3A_167 = vector.broadcast %shift_left3A_166 : i32 to vector<16xi32>
        %shift_left3A_168 = arith.shli %gather3A_165, %shift_left3A_167 : vector<16xi32>
        %bitcast3A_169 = vector.bitcast %shift_left3A_168 : vector<16xi32> to vector<16xf32>
        %and3A_170 = arith.andi %gather3A_165, %broadcast_in_dim3A_10 : vector<16xi32>
        %bitcast3A_171 = vector.bitcast %and3A_170 : vector<16xi32> to vector<16xf32>
        %add3A_172 = arith.addf %add3A_158, %bitcast3A_169 : vector<16xf32>
        %add3A_173 = arith.addf %add3A_159, %bitcast3A_171 : vector<16xf32>
        %scan3A_174 = arith.constant 6 : i32
        %scan3A_175 = arith.addi %scan3A_94, %scan3A_174 : i32
        %get3A_176 = arith.index_cast %scan3A_175 : i32 to index
        %get3A_177 = arith.index_cast %mul3A_72 : i32 to index
        %get3A_178 = tpu.vector_load %arg6[%get3A_176, %get3A_177] {strides = array<i32>} : memref<200x128xi32, #tpu.memory_space<vmem>>, vector<16xi32>,
        %gather3A_179 = tpu.vector_load_idx %arg5[%get3A_178] : memref<30522xi32, #tpu.memory_space<vmem>>[vector<16xi32>], vector<16xi32>,
        %shift_left3A_180 = arith.constant 16 : i32
        %shift_left3A_181 = vector.broadcast %shift_left3A_180 : i32 to vector<16xi32>
        %shift_left3A_182 = arith.shli %gather3A_179, %shift_left3A_181 : vector<16xi32>
        %bitcast3A_183 = vector.bitcast %shift_left3A_182 : vector<16xi32> to vector<16xf32>
        %and3A_184 = arith.andi %gather3A_179, %broadcast_in_dim3A_10 : vector<16xi32>
        %bitcast3A_185 = vector.bitcast %and3A_184 : vector<16xi32> to vector<16xf32>
        %add3A_186 = arith.addf %add3A_172, %bitcast3A_183 : vector<16xf32>
        %add3A_187 = arith.addf %add3A_173, %bitcast3A_185 : vector<16xf32>
        %scan3A_188 = arith.constant 7 : i32
        %scan3A_189 = arith.addi %scan3A_94, %scan3A_188 : i32
        %get3A_190 = arith.index_cast %scan3A_189 : i32 to index
        %get3A_191 = arith.index_cast %mul3A_72 : i32 to index
        %get3A_192 = tpu.vector_load %arg6[%get3A_190, %get3A_191] {strides = array<i32>} : memref<200x128xi32, #tpu.memory_space<vmem>>, vector<16xi32>,
        %gather3A_193 = tpu.vector_load_idx %arg5[%get3A_192] : memref<30522xi32, #tpu.memory_space<vmem>>[vector<16xi32>], vector<16xi32>,
        %shift_left3A_194 = arith.constant 16 : i32
        %shift_left3A_195 = vector.broadcast %shift_left3A_194 : i32 to vector<16xi32>
        %shift_left3A_196 = arith.shli %gather3A_193, %shift_left3A_195 : vector<16xi32>
        %bitcast3A_197 = vector.bitcast %shift_left3A_196 : vector<16xi32> to vector<16xf32>
        %and3A_198 = arith.andi %gather3A_193, %broadcast_in_dim3A_10 : vector<16xi32>
        %bitcast3A_199 = vector.bitcast %and3A_198 : vector<16xi32> to vector<16xf32>
        %add3A_200 = arith.addf %add3A_186, %bitcast3A_197 : vector<16xf32>
        %add3A_201 = arith.addf %add3A_187, %bitcast3A_199 : vector<16xf32>
        scf.yield %add3A_200, %add3A_201 : vector<16xf32>, vector<16xf32>
      }
      %scan3A_78 = arith.constant 200 : i32
      %add3A_79 = arith.constant 0 : i32
      %add3A_80 = arith.addi %add3A_79, %scan3A_70 : i32
      %mul3A_81 = arith.constant 16 : i32
      %mul3A_82 = arith.muli %add3A_80, %mul3A_81 : i32
      %iota3A = tpu.iota {dimensions = array<i32: 0>} : vector<16xi32>
      %add3A_83 = vector.broadcast %mul3A_82 : i32 to vector<16xi32>
      %add3A_84 = arith.addi %add3A_83, %iota3A : vector<16xi32>
      %mul3A_85 = arith.constant 5.000000e-03 : f32
      %mul3A_86 = vector.broadcast %mul3A_85 : f32 to vector<16xf32>
      %mul3A_87 = arith.mulf %scan3A_77#0, %mul3A_86 : vector<16xf32>
      tpu.vector_store_idx %arg8[%add3A_84], %mul3A_87 : memref<1024xf32, #tpu.memory_space<vmem>>[vector<16xi32>], vector<16xf32>,
      %add3A_88 = arith.constant 512 : i32
      %add3A_89 = vector.broadcast %add3A_88 : i32 to vector<16xi32>
      %add3A_90 = arith.addi %add3A_84, %add3A_89 : vector<16xi32>
      %mul3A_91 = arith.constant 5.000000e-03 : f32
      %mul3A_92 = vector.broadcast %mul3A_91 : f32 to vector<16xf32>
      %mul3A_93 = arith.mulf %scan3A_77#1, %mul3A_92 : vector<16xf32>
      tpu.vector_store_idx %arg8[%add3A_90], %mul3A_93 : memref<1024xf32, #tpu.memory_space<vmem>>[vector<16xi32>], vector<16xf32>,
    }
    %scan3A_26 = arith.constant 8 : i32
    %dma_wait3A_27 = arith.constant 0 : i32
    %dma_wait3A_28 = tpu.memref_slice %arg3[%dma_wait3A_27, %add3A_17] : memref<200x16384xi32, #tpu.memory_space<hbm>> -> memref<200x128xi32, #tpu.memory_space<hbm>>
    %dma_wait3A_29 = arith.constant 0 : i32
    %dma_wait3A_30 = tpu.memref_slice %arg3[%dma_wait3A_29, %add3A_17] : memref<200x16384xi32, #tpu.memory_space<hbm>> -> memref<200x128xi32, #tpu.memory_space<hbm>>
    tpu.wait_dma2 semaphore(%arg11 : memref<!tpu.dma_semaphore, #tpu.memory_space<semaphore_mem>>) src(%dma_wait3A_30 : memref<200x128xi32, #tpu.memory_space<hbm>>) dst(%arg7 : memref<200x128xi32, #tpu.memory_space<vmem>>)
    %add3A_31 = arith.constant 256 : i32
    %add3A_32 = arith.addi %mul3A_2, %add3A_31 : i32
    %dma_start3A_33 = arith.constant 0 : i32
    %dma_start3A_34 = tpu.memref_slice %arg3[%dma_start3A_33, %add3A_32] : memref<200x16384xi32, #tpu.memory_space<hbm>> -> memref<200x128xi32, #tpu.memory_space<hbm>>
    %dma_start3A_35 = arith.constant 0 : i32
    %dma_start3A_36 = tpu.memref_slice %arg3[%dma_start3A_35, %add3A_32] : memref<200x16384xi32, #tpu.memory_space<hbm>> -> memref<200x128xi32, #tpu.memory_space<hbm>>
    tpu.enqueue_dma source(%dma_start3A_36 : memref<200x128xi32, #tpu.memory_space<hbm>>) target(%arg6 : memref<200x128xi32, #tpu.memory_space<vmem>>) target_semaphore(%arg10 : memref<!tpu.dma_semaphore, #tpu.memory_space<semaphore_mem>>)
    %scan3A_37 = arith.constant 0 : i32
    %scan3A_38 = arith.constant 0 : i32
    %scan3A_39 = arith.constant 8 : i32
    %scan3A_40 = arith.addi %scan3A_38, %scan3A_39 : i32
    %scan3A_41 = arith.constant 1 : i32
    scf.for %scan3A_70 = %scan3A_38 to %scan3A_40 step %scan3A_41  : i32 {
      %mul3A_71 = arith.constant 16 : i32
      %mul3A_72 = arith.muli %scan3A_70, %mul3A_71 : i32
      %scan3A_73 = arith.constant 0 : i32
      %scan3A_74 = arith.constant 200 : i32
      %scan3A_75 = arith.addi %scan3A_73, %scan3A_74 : i32
      %scan3A_76 = arith.constant 8 : i32
      %scan3A_77:2 = scf.for %scan3A_94 = %scan3A_73 to %scan3A_75 step %scan3A_76 iter_args(%scan3A_95 = %broadcast_in_dim3A_12, %scan3A_96 = %broadcast_in_dim3A_12) -> (vector<16xf32>, vector<16xf32>)  : i32 {
        %get3A = arith.index_cast %scan3A_94 : i32 to index
        %get3A_97 = arith.index_cast %mul3A_72 : i32 to index
        %get3A_98 = tpu.vector_load %arg7[%get3A, %get3A_97] {strides = array<i32>} : memref<200x128xi32, #tpu.memory_space<vmem>>, vector<16xi32>,
        %gather3A = tpu.vector_load_idx %arg5[%get3A_98] : memref<30522xi32, #tpu.memory_space<vmem>>[vector<16xi32>], vector<16xi32>,
        %shift_left3A = arith.constant 16 : i32
        %shift_left3A_99 = vector.broadcast %shift_left3A : i32 to vector<16xi32>
        %shift_left3A_100 = arith.shli %gather3A, %shift_left3A_99 : vector<16xi32>
        %bitcast3A = vector.bitcast %shift_left3A_100 : vector<16xi32> to vector<16xf32>
        %and3A = arith.andi %gather3A, %broadcast_in_dim3A_10 : vector<16xi32>
        %bitcast3A_101 = vector.bitcast %and3A : vector<16xi32> to vector<16xf32>
        %add3A_102 = arith.addf %scan3A_95, %bitcast3A : vector<16xf32>
        %add3A_103 = arith.addf %scan3A_96, %bitcast3A_101 : vector<16xf32>
        %scan3A_104 = arith.constant 1 : i32
        %scan3A_105 = arith.addi %scan3A_94, %scan3A_104 : i32
        %get3A_106 = arith.index_cast %scan3A_105 : i32 to index
        %get3A_107 = arith.index_cast %mul3A_72 : i32 to index
        %get3A_108 = tpu.vector_load %arg7[%get3A_106, %get3A_107] {strides = array<i32>} : memref<200x128xi32, #tpu.memory_space<vmem>>, vector<16xi32>,
        %gather3A_109 = tpu.vector_load_idx %arg5[%get3A_108] : memref<30522xi32, #tpu.memory_space<vmem>>[vector<16xi32>], vector<16xi32>,
        %shift_left3A_110 = arith.constant 16 : i32
        %shift_left3A_111 = vector.broadcast %shift_left3A_110 : i32 to vector<16xi32>
        %shift_left3A_112 = arith.shli %gather3A_109, %shift_left3A_111 : vector<16xi32>
        %bitcast3A_113 = vector.bitcast %shift_left3A_112 : vector<16xi32> to vector<16xf32>
        %and3A_114 = arith.andi %gather3A_109, %broadcast_in_dim3A_10 : vector<16xi32>
        %bitcast3A_115 = vector.bitcast %and3A_114 : vector<16xi32> to vector<16xf32>
        %add3A_116 = arith.addf %add3A_102, %bitcast3A_113 : vector<16xf32>
        %add3A_117 = arith.addf %add3A_103, %bitcast3A_115 : vector<16xf32>
        %scan3A_118 = arith.constant 2 : i32
        %scan3A_119 = arith.addi %scan3A_94, %scan3A_118 : i32
        %get3A_120 = arith.index_cast %scan3A_119 : i32 to index
        %get3A_121 = arith.index_cast %mul3A_72 : i32 to index
        %get3A_122 = tpu.vector_load %arg7[%get3A_120, %get3A_121] {strides = array<i32>} : memref<200x128xi32, #tpu.memory_space<vmem>>, vector<16xi32>,
        %gather3A_123 = tpu.vector_load_idx %arg5[%get3A_122] : memref<30522xi32, #tpu.memory_space<vmem>>[vector<16xi32>], vector<16xi32>,
        %shift_left3A_124 = arith.constant 16 : i32
        %shift_left3A_125 = vector.broadcast %shift_left3A_124 : i32 to vector<16xi32>
        %shift_left3A_126 = arith.shli %gather3A_123, %shift_left3A_125 : vector<16xi32>
        %bitcast3A_127 = vector.bitcast %shift_left3A_126 : vector<16xi32> to vector<16xf32>
        %and3A_128 = arith.andi %gather3A_123, %broadcast_in_dim3A_10 : vector<16xi32>
        %bitcast3A_129 = vector.bitcast %and3A_128 : vector<16xi32> to vector<16xf32>
        %add3A_130 = arith.addf %add3A_116, %bitcast3A_127 : vector<16xf32>
        %add3A_131 = arith.addf %add3A_117, %bitcast3A_129 : vector<16xf32>
        %scan3A_132 = arith.constant 3 : i32
        %scan3A_133 = arith.addi %scan3A_94, %scan3A_132 : i32
        %get3A_134 = arith.index_cast %scan3A_133 : i32 to index
        %get3A_135 = arith.index_cast %mul3A_72 : i32 to index
        %get3A_136 = tpu.vector_load %arg7[%get3A_134, %get3A_135] {strides = array<i32>} : memref<200x128xi32, #tpu.memory_space<vmem>>, vector<16xi32>,
        %gather3A_137 = tpu.vector_load_idx %arg5[%get3A_136] : memref<30522xi32, #tpu.memory_space<vmem>>[vector<16xi32>], vector<16xi32>,
        %shift_left3A_138 = arith.constant 16 : i32
        %shift_left3A_139 = vector.broadcast %shift_left3A_138 : i32 to vector<16xi32>
        %shift_left3A_140 = arith.shli %gather3A_137, %shift_left3A_139 : vector<16xi32>
        %bitcast3A_141 = vector.bitcast %shift_left3A_140 : vector<16xi32> to vector<16xf32>
        %and3A_142 = arith.andi %gather3A_137, %broadcast_in_dim3A_10 : vector<16xi32>
        %bitcast3A_143 = vector.bitcast %and3A_142 : vector<16xi32> to vector<16xf32>
        %add3A_144 = arith.addf %add3A_130, %bitcast3A_141 : vector<16xf32>
        %add3A_145 = arith.addf %add3A_131, %bitcast3A_143 : vector<16xf32>
        %scan3A_146 = arith.constant 4 : i32
        %scan3A_147 = arith.addi %scan3A_94, %scan3A_146 : i32
        %get3A_148 = arith.index_cast %scan3A_147 : i32 to index
        %get3A_149 = arith.index_cast %mul3A_72 : i32 to index
        %get3A_150 = tpu.vector_load %arg7[%get3A_148, %get3A_149] {strides = array<i32>} : memref<200x128xi32, #tpu.memory_space<vmem>>, vector<16xi32>,
        %gather3A_151 = tpu.vector_load_idx %arg5[%get3A_150] : memref<30522xi32, #tpu.memory_space<vmem>>[vector<16xi32>], vector<16xi32>,
        %shift_left3A_152 = arith.constant 16 : i32
        %shift_left3A_153 = vector.broadcast %shift_left3A_152 : i32 to vector<16xi32>
        %shift_left3A_154 = arith.shli %gather3A_151, %shift_left3A_153 : vector<16xi32>
        %bitcast3A_155 = vector.bitcast %shift_left3A_154 : vector<16xi32> to vector<16xf32>
        %and3A_156 = arith.andi %gather3A_151, %broadcast_in_dim3A_10 : vector<16xi32>
        %bitcast3A_157 = vector.bitcast %and3A_156 : vector<16xi32> to vector<16xf32>
        %add3A_158 = arith.addf %add3A_144, %bitcast3A_155 : vector<16xf32>
        %add3A_159 = arith.addf %add3A_145, %bitcast3A_157 : vector<16xf32>
        %scan3A_160 = arith.constant 5 : i32
        %scan3A_161 = arith.addi %scan3A_94, %scan3A_160 : i32
        %get3A_162 = arith.index_cast %scan3A_161 : i32 to index
        %get3A_163 = arith.index_cast %mul3A_72 : i32 to index
        %get3A_164 = tpu.vector_load %arg7[%get3A_162, %get3A_163] {strides = array<i32>} : memref<200x128xi32, #tpu.memory_space<vmem>>, vector<16xi32>,
        %gather3A_165 = tpu.vector_load_idx %arg5[%get3A_164] : memref<30522xi32, #tpu.memory_space<vmem>>[vector<16xi32>], vector<16xi32>,
        %shift_left3A_166 = arith.constant 16 : i32
        %shift_left3A_167 = vector.broadcast %shift_left3A_166 : i32 to vector<16xi32>
        %shift_left3A_168 = arith.shli %gather3A_165, %shift_left3A_167 : vector<16xi32>
        %bitcast3A_169 = vector.bitcast %shift_left3A_168 : vector<16xi32> to vector<16xf32>
        %and3A_170 = arith.andi %gather3A_165, %broadcast_in_dim3A_10 : vector<16xi32>
        %bitcast3A_171 = vector.bitcast %and3A_170 : vector<16xi32> to vector<16xf32>
        %add3A_172 = arith.addf %add3A_158, %bitcast3A_169 : vector<16xf32>
        %add3A_173 = arith.addf %add3A_159, %bitcast3A_171 : vector<16xf32>
        %scan3A_174 = arith.constant 6 : i32
        %scan3A_175 = arith.addi %scan3A_94, %scan3A_174 : i32
        %get3A_176 = arith.index_cast %scan3A_175 : i32 to index
        %get3A_177 = arith.index_cast %mul3A_72 : i32 to index
        %get3A_178 = tpu.vector_load %arg7[%get3A_176, %get3A_177] {strides = array<i32>} : memref<200x128xi32, #tpu.memory_space<vmem>>, vector<16xi32>,
        %gather3A_179 = tpu.vector_load_idx %arg5[%get3A_178] : memref<30522xi32, #tpu.memory_space<vmem>>[vector<16xi32>], vector<16xi32>,
        %shift_left3A_180 = arith.constant 16 : i32
        %shift_left3A_181 = vector.broadcast %shift_left3A_180 : i32 to vector<16xi32>
        %shift_left3A_182 = arith.shli %gather3A_179, %shift_left3A_181 : vector<16xi32>
        %bitcast3A_183 = vector.bitcast %shift_left3A_182 : vector<16xi32> to vector<16xf32>
        %and3A_184 = arith.andi %gather3A_179, %broadcast_in_dim3A_10 : vector<16xi32>
        %bitcast3A_185 = vector.bitcast %and3A_184 : vector<16xi32> to vector<16xf32>
        %add3A_186 = arith.addf %add3A_172, %bitcast3A_183 : vector<16xf32>
        %add3A_187 = arith.addf %add3A_173, %bitcast3A_185 : vector<16xf32>
        %scan3A_188 = arith.constant 7 : i32
        %scan3A_189 = arith.addi %scan3A_94, %scan3A_188 : i32
        %get3A_190 = arith.index_cast %scan3A_189 : i32 to index
        %get3A_191 = arith.index_cast %mul3A_72 : i32 to index
        %get3A_192 = tpu.vector_load %arg7[%get3A_190, %get3A_191] {strides = array<i32>} : memref<200x128xi32, #tpu.memory_space<vmem>>, vector<16xi32>,
        %gather3A_193 = tpu.vector_load_idx %arg5[%get3A_192] : memref<30522xi32, #tpu.memory_space<vmem>>[vector<16xi32>], vector<16xi32>,
        %shift_left3A_194 = arith.constant 16 : i32
        %shift_left3A_195 = vector.broadcast %shift_left3A_194 : i32 to vector<16xi32>
        %shift_left3A_196 = arith.shli %gather3A_193, %shift_left3A_195 : vector<16xi32>
        %bitcast3A_197 = vector.bitcast %shift_left3A_196 : vector<16xi32> to vector<16xf32>
        %and3A_198 = arith.andi %gather3A_193, %broadcast_in_dim3A_10 : vector<16xi32>
        %bitcast3A_199 = vector.bitcast %and3A_198 : vector<16xi32> to vector<16xf32>
        %add3A_200 = arith.addf %add3A_186, %bitcast3A_197 : vector<16xf32>
        %add3A_201 = arith.addf %add3A_187, %bitcast3A_199 : vector<16xf32>
        scf.yield %add3A_200, %add3A_201 : vector<16xf32>, vector<16xf32>
      }
      %scan3A_78 = arith.constant 200 : i32
      %add3A_79 = arith.constant 8 : i32
      %add3A_80 = arith.addi %add3A_79, %scan3A_70 : i32
      %mul3A_81 = arith.constant 16 : i32
      %mul3A_82 = arith.muli %add3A_80, %mul3A_81 : i32
      %iota3A = tpu.iota {dimensions = array<i32: 0>} : vector<16xi32>
      %add3A_83 = vector.broadcast %mul3A_82 : i32 to vector<16xi32>
      %add3A_84 = arith.addi %add3A_83, %iota3A : vector<16xi32>
      %mul3A_85 = arith.constant 5.000000e-03 : f32
      %mul3A_86 = vector.broadcast %mul3A_85 : f32 to vector<16xf32>
      %mul3A_87 = arith.mulf %scan3A_77#0, %mul3A_86 : vector<16xf32>
      tpu.vector_store_idx %arg8[%add3A_84], %mul3A_87 : memref<1024xf32, #tpu.memory_space<vmem>>[vector<16xi32>], vector<16xf32>,
      %add3A_88 = arith.constant 512 : i32
      %add3A_89 = vector.broadcast %add3A_88 : i32 to vector<16xi32>
      %add3A_90 = arith.addi %add3A_84, %add3A_89 : vector<16xi32>
      %mul3A_91 = arith.constant 5.000000e-03 : f32
      %mul3A_92 = vector.broadcast %mul3A_91 : f32 to vector<16xf32>
      %mul3A_93 = arith.mulf %scan3A_77#1, %mul3A_92 : vector<16xf32>
      tpu.vector_store_idx %arg8[%add3A_90], %mul3A_93 : memref<1024xf32, #tpu.memory_space<vmem>>[vector<16xi32>], vector<16xf32>,
    }
    %scan3A_42 = arith.constant 8 : i32
    %dma_wait3A_43 = arith.constant 0 : i32
    %dma_wait3A_44 = tpu.memref_slice %arg3[%dma_wait3A_43, %add3A_32] : memref<200x16384xi32, #tpu.memory_space<hbm>> -> memref<200x128xi32, #tpu.memory_space<hbm>>
    %dma_wait3A_45 = arith.constant 0 : i32
    %dma_wait3A_46 = tpu.memref_slice %arg3[%dma_wait3A_45, %add3A_32] : memref<200x16384xi32, #tpu.memory_space<hbm>> -> memref<200x128xi32, #tpu.memory_space<hbm>>
    tpu.wait_dma2 semaphore(%arg10 : memref<!tpu.dma_semaphore, #tpu.memory_space<semaphore_mem>>) src(%dma_wait3A_46 : memref<200x128xi32, #tpu.memory_space<hbm>>) dst(%arg6 : memref<200x128xi32, #tpu.memory_space<vmem>>)
    %add3A_47 = arith.constant 384 : i32
    %add3A_48 = arith.addi %mul3A_2, %add3A_47 : i32
    %dma_start3A_49 = arith.constant 0 : i32
    %dma_start3A_50 = tpu.memref_slice %arg3[%dma_start3A_49, %add3A_48] : memref<200x16384xi32, #tpu.memory_space<hbm>> -> memref<200x128xi32, #tpu.memory_space<hbm>>
    %dma_start3A_51 = arith.constant 0 : i32
    %dma_start3A_52 = tpu.memref_slice %arg3[%dma_start3A_51, %add3A_48] : memref<200x16384xi32, #tpu.memory_space<hbm>> -> memref<200x128xi32, #tpu.memory_space<hbm>>
    tpu.enqueue_dma source(%dma_start3A_52 : memref<200x128xi32, #tpu.memory_space<hbm>>) target(%arg7 : memref<200x128xi32, #tpu.memory_space<vmem>>) target_semaphore(%arg11 : memref<!tpu.dma_semaphore, #tpu.memory_space<semaphore_mem>>)
    %scan3A_53 = arith.constant 0 : i32
    %scan3A_54 = arith.constant 0 : i32
    %scan3A_55 = arith.constant 8 : i32
    %scan3A_56 = arith.addi %scan3A_54, %scan3A_55 : i32
    %scan3A_57 = arith.constant 1 : i32
    scf.for %scan3A_70 = %scan3A_54 to %scan3A_56 step %scan3A_57  : i32 {
      %mul3A_71 = arith.constant 16 : i32
      %mul3A_72 = arith.muli %scan3A_70, %mul3A_71 : i32
      %scan3A_73 = arith.constant 0 : i32
      %scan3A_74 = arith.constant 200 : i32
      %scan3A_75 = arith.addi %scan3A_73, %scan3A_74 : i32
      %scan3A_76 = arith.constant 8 : i32
      %scan3A_77:2 = scf.for %scan3A_94 = %scan3A_73 to %scan3A_75 step %scan3A_76 iter_args(%scan3A_95 = %broadcast_in_dim3A_12, %scan3A_96 = %broadcast_in_dim3A_12) -> (vector<16xf32>, vector<16xf32>)  : i32 {
        %get3A = arith.index_cast %scan3A_94 : i32 to index
        %get3A_97 = arith.index_cast %mul3A_72 : i32 to index
        %get3A_98 = tpu.vector_load %arg6[%get3A, %get3A_97] {strides = array<i32>} : memref<200x128xi32, #tpu.memory_space<vmem>>, vector<16xi32>,
        %gather3A = tpu.vector_load_idx %arg5[%get3A_98] : memref<30522xi32, #tpu.memory_space<vmem>>[vector<16xi32>], vector<16xi32>,
        %shift_left3A = arith.constant 16 : i32
        %shift_left3A_99 = vector.broadcast %shift_left3A : i32 to vector<16xi32>
        %shift_left3A_100 = arith.shli %gather3A, %shift_left3A_99 : vector<16xi32>
        %bitcast3A = vector.bitcast %shift_left3A_100 : vector<16xi32> to vector<16xf32>
        %and3A = arith.andi %gather3A, %broadcast_in_dim3A_10 : vector<16xi32>
        %bitcast3A_101 = vector.bitcast %and3A : vector<16xi32> to vector<16xf32>
        %add3A_102 = arith.addf %scan3A_95, %bitcast3A : vector<16xf32>
        %add3A_103 = arith.addf %scan3A_96, %bitcast3A_101 : vector<16xf32>
        %scan3A_104 = arith.constant 1 : i32
        %scan3A_105 = arith.addi %scan3A_94, %scan3A_104 : i32
        %get3A_106 = arith.index_cast %scan3A_105 : i32 to index
        %get3A_107 = arith.index_cast %mul3A_72 : i32 to index
        %get3A_108 = tpu.vector_load %arg6[%get3A_106, %get3A_107] {strides = array<i32>} : memref<200x128xi32, #tpu.memory_space<vmem>>, vector<16xi32>,
        %gather3A_109 = tpu.vector_load_idx %arg5[%get3A_108] : memref<30522xi32, #tpu.memory_space<vmem>>[vector<16xi32>], vector<16xi32>,
        %shift_left3A_110 = arith.constant 16 : i32
        %shift_left3A_111 = vector.broadcast %shift_left3A_110 : i32 to vector<16xi32>
        %shift_left3A_112 = arith.shli %gather3A_109, %shift_left3A_111 : vector<16xi32>
        %bitcast3A_113 = vector.bitcast %shift_left3A_112 : vector<16xi32> to vector<16xf32>
        %and3A_114 = arith.andi %gather3A_109, %broadcast_in_dim3A_10 : vector<16xi32>
        %bitcast3A_115 = vector.bitcast %and3A_114 : vector<16xi32> to vector<16xf32>
        %add3A_116 = arith.addf %add3A_102, %bitcast3A_113 : vector<16xf32>
        %add3A_117 = arith.addf %add3A_103, %bitcast3A_115 : vector<16xf32>
        %scan3A_118 = arith.constant 2 : i32
        %scan3A_119 = arith.addi %scan3A_94, %scan3A_118 : i32
        %get3A_120 = arith.index_cast %scan3A_119 : i32 to index
        %get3A_121 = arith.index_cast %mul3A_72 : i32 to index
        %get3A_122 = tpu.vector_load %arg6[%get3A_120, %get3A_121] {strides = array<i32>} : memref<200x128xi32, #tpu.memory_space<vmem>>, vector<16xi32>,
        %gather3A_123 = tpu.vector_load_idx %arg5[%get3A_122] : memref<30522xi32, #tpu.memory_space<vmem>>[vector<16xi32>], vector<16xi32>,
        %shift_left3A_124 = arith.constant 16 : i32
        %shift_left3A_125 = vector.broadcast %shift_left3A_124 : i32 to vector<16xi32>
        %shift_left3A_126 = arith.shli %gather3A_123, %shift_left3A_125 : vector<16xi32>
        %bitcast3A_127 = vector.bitcast %shift_left3A_126 : vector<16xi32> to vector<16xf32>
        %and3A_128 = arith.andi %gather3A_123, %broadcast_in_dim3A_10 : vector<16xi32>
        %bitcast3A_129 = vector.bitcast %and3A_128 : vector<16xi32> to vector<16xf32>
        %add3A_130 = arith.addf %add3A_116, %bitcast3A_127 : vector<16xf32>
        %add3A_131 = arith.addf %add3A_117, %bitcast3A_129 : vector<16xf32>
        %scan3A_132 = arith.constant 3 : i32
        %scan3A_133 = arith.addi %scan3A_94, %scan3A_132 : i32
        %get3A_134 = arith.index_cast %scan3A_133 : i32 to index
        %get3A_135 = arith.index_cast %mul3A_72 : i32 to index
        %get3A_136 = tpu.vector_load %arg6[%get3A_134, %get3A_135] {strides = array<i32>} : memref<200x128xi32, #tpu.memory_space<vmem>>, vector<16xi32>,
        %gather3A_137 = tpu.vector_load_idx %arg5[%get3A_136] : memref<30522xi32, #tpu.memory_space<vmem>>[vector<16xi32>], vector<16xi32>,
        %shift_left3A_138 = arith.constant 16 : i32
        %shift_left3A_139 = vector.broadcast %shift_left3A_138 : i32 to vector<16xi32>
        %shift_left3A_140 = arith.shli %gather3A_137, %shift_left3A_139 : vector<16xi32>
        %bitcast3A_141 = vector.bitcast %shift_left3A_140 : vector<16xi32> to vector<16xf32>
        %and3A_142 = arith.andi %gather3A_137, %broadcast_in_dim3A_10 : vector<16xi32>
        %bitcast3A_143 = vector.bitcast %and3A_142 : vector<16xi32> to vector<16xf32>
        %add3A_144 = arith.addf %add3A_130, %bitcast3A_141 : vector<16xf32>
        %add3A_145 = arith.addf %add3A_131, %bitcast3A_143 : vector<16xf32>
        %scan3A_146 = arith.constant 4 : i32
        %scan3A_147 = arith.addi %scan3A_94, %scan3A_146 : i32
        %get3A_148 = arith.index_cast %scan3A_147 : i32 to index
        %get3A_149 = arith.index_cast %mul3A_72 : i32 to index
        %get3A_150 = tpu.vector_load %arg6[%get3A_148, %get3A_149] {strides = array<i32>} : memref<200x128xi32, #tpu.memory_space<vmem>>, vector<16xi32>,
        %gather3A_151 = tpu.vector_load_idx %arg5[%get3A_150] : memref<30522xi32, #tpu.memory_space<vmem>>[vector<16xi32>], vector<16xi32>,
        %shift_left3A_152 = arith.constant 16 : i32
        %shift_left3A_153 = vector.broadcast %shift_left3A_152 : i32 to vector<16xi32>
        %shift_left3A_154 = arith.shli %gather3A_151, %shift_left3A_153 : vector<16xi32>
        %bitcast3A_155 = vector.bitcast %shift_left3A_154 : vector<16xi32> to vector<16xf32>
        %and3A_156 = arith.andi %gather3A_151, %broadcast_in_dim3A_10 : vector<16xi32>
        %bitcast3A_157 = vector.bitcast %and3A_156 : vector<16xi32> to vector<16xf32>
        %add3A_158 = arith.addf %add3A_144, %bitcast3A_155 : vector<16xf32>
        %add3A_159 = arith.addf %add3A_145, %bitcast3A_157 : vector<16xf32>
        %scan3A_160 = arith.constant 5 : i32
        %scan3A_161 = arith.addi %scan3A_94, %scan3A_160 : i32
        %get3A_162 = arith.index_cast %scan3A_161 : i32 to index
        %get3A_163 = arith.index_cast %mul3A_72 : i32 to index
        %get3A_164 = tpu.vector_load %arg6[%get3A_162, %get3A_163] {strides = array<i32>} : memref<200x128xi32, #tpu.memory_space<vmem>>, vector<16xi32>,
        %gather3A_165 = tpu.vector_load_idx %arg5[%get3A_164] : memref<30522xi32, #tpu.memory_space<vmem>>[vector<16xi32>], vector<16xi32>,
        %shift_left3A_166 = arith.constant 16 : i32
        %shift_left3A_167 = vector.broadcast %shift_left3A_166 : i32 to vector<16xi32>
        %shift_left3A_168 = arith.shli %gather3A_165, %shift_left3A_167 : vector<16xi32>
        %bitcast3A_169 = vector.bitcast %shift_left3A_168 : vector<16xi32> to vector<16xf32>
        %and3A_170 = arith.andi %gather3A_165, %broadcast_in_dim3A_10 : vector<16xi32>
        %bitcast3A_171 = vector.bitcast %and3A_170 : vector<16xi32> to vector<16xf32>
        %add3A_172 = arith.addf %add3A_158, %bitcast3A_169 : vector<16xf32>
        %add3A_173 = arith.addf %add3A_159, %bitcast3A_171 : vector<16xf32>
        %scan3A_174 = arith.constant 6 : i32
        %scan3A_175 = arith.addi %scan3A_94, %scan3A_174 : i32
        %get3A_176 = arith.index_cast %scan3A_175 : i32 to index
        %get3A_177 = arith.index_cast %mul3A_72 : i32 to index
        %get3A_178 = tpu.vector_load %arg6[%get3A_176, %get3A_177] {strides = array<i32>} : memref<200x128xi32, #tpu.memory_space<vmem>>, vector<16xi32>,
        %gather3A_179 = tpu.vector_load_idx %arg5[%get3A_178] : memref<30522xi32, #tpu.memory_space<vmem>>[vector<16xi32>], vector<16xi32>,
        %shift_left3A_180 = arith.constant 16 : i32
        %shift_left3A_181 = vector.broadcast %shift_left3A_180 : i32 to vector<16xi32>
        %shift_left3A_182 = arith.shli %gather3A_179, %shift_left3A_181 : vector<16xi32>
        %bitcast3A_183 = vector.bitcast %shift_left3A_182 : vector<16xi32> to vector<16xf32>
        %and3A_184 = arith.andi %gather3A_179, %broadcast_in_dim3A_10 : vector<16xi32>
        %bitcast3A_185 = vector.bitcast %and3A_184 : vector<16xi32> to vector<16xf32>
        %add3A_186 = arith.addf %add3A_172, %bitcast3A_183 : vector<16xf32>
        %add3A_187 = arith.addf %add3A_173, %bitcast3A_185 : vector<16xf32>
        %scan3A_188 = arith.constant 7 : i32
        %scan3A_189 = arith.addi %scan3A_94, %scan3A_188 : i32
        %get3A_190 = arith.index_cast %scan3A_189 : i32 to index
        %get3A_191 = arith.index_cast %mul3A_72 : i32 to index
        %get3A_192 = tpu.vector_load %arg6[%get3A_190, %get3A_191] {strides = array<i32>} : memref<200x128xi32, #tpu.memory_space<vmem>>, vector<16xi32>,
        %gather3A_193 = tpu.vector_load_idx %arg5[%get3A_192] : memref<30522xi32, #tpu.memory_space<vmem>>[vector<16xi32>], vector<16xi32>,
        %shift_left3A_194 = arith.constant 16 : i32
        %shift_left3A_195 = vector.broadcast %shift_left3A_194 : i32 to vector<16xi32>
        %shift_left3A_196 = arith.shli %gather3A_193, %shift_left3A_195 : vector<16xi32>
        %bitcast3A_197 = vector.bitcast %shift_left3A_196 : vector<16xi32> to vector<16xf32>
        %and3A_198 = arith.andi %gather3A_193, %broadcast_in_dim3A_10 : vector<16xi32>
        %bitcast3A_199 = vector.bitcast %and3A_198 : vector<16xi32> to vector<16xf32>
        %add3A_200 = arith.addf %add3A_186, %bitcast3A_197 : vector<16xf32>
        %add3A_201 = arith.addf %add3A_187, %bitcast3A_199 : vector<16xf32>
        scf.yield %add3A_200, %add3A_201 : vector<16xf32>, vector<16xf32>
      }
      %scan3A_78 = arith.constant 200 : i32
      %add3A_79 = arith.constant 16 : i32
      %add3A_80 = arith.addi %add3A_79, %scan3A_70 : i32
      %mul3A_81 = arith.constant 16 : i32
      %mul3A_82 = arith.muli %add3A_80, %mul3A_81 : i32
      %iota3A = tpu.iota {dimensions = array<i32: 0>} : vector<16xi32>
      %add3A_83 = vector.broadcast %mul3A_82 : i32 to vector<16xi32>
      %add3A_84 = arith.addi %add3A_83, %iota3A : vector<16xi32>
      %mul3A_85 = arith.constant 5.000000e-03 : f32
      %mul3A_86 = vector.broadcast %mul3A_85 : f32 to vector<16xf32>
      %mul3A_87 = arith.mulf %scan3A_77#0, %mul3A_86 : vector<16xf32>
      tpu.vector_store_idx %arg8[%add3A_84], %mul3A_87 : memref<1024xf32, #tpu.memory_space<vmem>>[vector<16xi32>], vector<16xf32>,
      %add3A_88 = arith.constant 512 : i32
      %add3A_89 = vector.broadcast %add3A_88 : i32 to vector<16xi32>
      %add3A_90 = arith.addi %add3A_84, %add3A_89 : vector<16xi32>
      %mul3A_91 = arith.constant 5.000000e-03 : f32
      %mul3A_92 = vector.broadcast %mul3A_91 : f32 to vector<16xf32>
      %mul3A_93 = arith.mulf %scan3A_77#1, %mul3A_92 : vector<16xf32>
      tpu.vector_store_idx %arg8[%add3A_90], %mul3A_93 : memref<1024xf32, #tpu.memory_space<vmem>>[vector<16xi32>], vector<16xf32>,
    }
    %scan3A_58 = arith.constant 8 : i32
    %dma_wait3A_59 = arith.constant 0 : i32
    %dma_wait3A_60 = tpu.memref_slice %arg3[%dma_wait3A_59, %add3A_48] : memref<200x16384xi32, #tpu.memory_space<hbm>> -> memref<200x128xi32, #tpu.memory_space<hbm>>
    %dma_wait3A_61 = arith.constant 0 : i32
    %dma_wait3A_62 = tpu.memref_slice %arg3[%dma_wait3A_61, %add3A_48] : memref<200x16384xi32, #tpu.memory_space<hbm>> -> memref<200x128xi32, #tpu.memory_space<hbm>>
    tpu.wait_dma2 semaphore(%arg11 : memref<!tpu.dma_semaphore, #tpu.memory_space<semaphore_mem>>) src(%dma_wait3A_62 : memref<200x128xi32, #tpu.memory_space<hbm>>) dst(%arg7 : memref<200x128xi32, #tpu.memory_space<vmem>>)
    %scan3A_63 = arith.constant 0 : i32
    %scan3A_64 = arith.constant 0 : i32
    %scan3A_65 = arith.constant 8 : i32
    %scan3A_66 = arith.addi %scan3A_64, %scan3A_65 : i32
    %scan3A_67 = arith.constant 1 : i32
    scf.for %scan3A_70 = %scan3A_64 to %scan3A_66 step %scan3A_67  : i32 {
      %mul3A_71 = arith.constant 16 : i32
      %mul3A_72 = arith.muli %scan3A_70, %mul3A_71 : i32
      %scan3A_73 = arith.constant 0 : i32
      %scan3A_74 = arith.constant 200 : i32
      %scan3A_75 = arith.addi %scan3A_73, %scan3A_74 : i32
      %scan3A_76 = arith.constant 8 : i32
      %scan3A_77:2 = scf.for %scan3A_94 = %scan3A_73 to %scan3A_75 step %scan3A_76 iter_args(%scan3A_95 = %broadcast_in_dim3A_12, %scan3A_96 = %broadcast_in_dim3A_12) -> (vector<16xf32>, vector<16xf32>)  : i32 {
        %get3A = arith.index_cast %scan3A_94 : i32 to index
        %get3A_97 = arith.index_cast %mul3A_72 : i32 to index
        %get3A_98 = tpu.vector_load %arg7[%get3A, %get3A_97] {strides = array<i32>} : memref<200x128xi32, #tpu.memory_space<vmem>>, vector<16xi32>,
        %gather3A = tpu.vector_load_idx %arg5[%get3A_98] : memref<30522xi32, #tpu.memory_space<vmem>>[vector<16xi32>], vector<16xi32>,
        %shift_left3A = arith.constant 16 : i32
        %shift_left3A_99 = vector.broadcast %shift_left3A : i32 to vector<16xi32>
        %shift_left3A_100 = arith.shli %gather3A, %shift_left3A_99 : vector<16xi32>
        %bitcast3A = vector.bitcast %shift_left3A_100 : vector<16xi32> to vector<16xf32>
        %and3A = arith.andi %gather3A, %broadcast_in_dim3A_10 : vector<16xi32>
        %bitcast3A_101 = vector.bitcast %and3A : vector<16xi32> to vector<16xf32>
        %add3A_102 = arith.addf %scan3A_95, %bitcast3A : vector<16xf32>
        %add3A_103 = arith.addf %scan3A_96, %bitcast3A_101 : vector<16xf32>
        %scan3A_104 = arith.constant 1 : i32
        %scan3A_105 = arith.addi %scan3A_94, %scan3A_104 : i32
        %get3A_106 = arith.index_cast %scan3A_105 : i32 to index
        %get3A_107 = arith.index_cast %mul3A_72 : i32 to index
        %get3A_108 = tpu.vector_load %arg7[%get3A_106, %get3A_107] {strides = array<i32>} : memref<200x128xi32, #tpu.memory_space<vmem>>, vector<16xi32>,
        %gather3A_109 = tpu.vector_load_idx %arg5[%get3A_108] : memref<30522xi32, #tpu.memory_space<vmem>>[vector<16xi32>], vector<16xi32>,
        %shift_left3A_110 = arith.constant 16 : i32
        %shift_left3A_111 = vector.broadcast %shift_left3A_110 : i32 to vector<16xi32>
        %shift_left3A_112 = arith.shli %gather3A_109, %shift_left3A_111 : vector<16xi32>
        %bitcast3A_113 = vector.bitcast %shift_left3A_112 : vector<16xi32> to vector<16xf32>
        %and3A_114 = arith.andi %gather3A_109, %broadcast_in_dim3A_10 : vector<16xi32>
        %bitcast3A_115 = vector.bitcast %and3A_114 : vector<16xi32> to vector<16xf32>
        %add3A_116 = arith.addf %add3A_102, %bitcast3A_113 : vector<16xf32>
        %add3A_117 = arith.addf %add3A_103, %bitcast3A_115 : vector<16xf32>
        %scan3A_118 = arith.constant 2 : i32
        %scan3A_119 = arith.addi %scan3A_94, %scan3A_118 : i32
        %get3A_120 = arith.index_cast %scan3A_119 : i32 to index
        %get3A_121 = arith.index_cast %mul3A_72 : i32 to index
        %get3A_122 = tpu.vector_load %arg7[%get3A_120, %get3A_121] {strides = array<i32>} : memref<200x128xi32, #tpu.memory_space<vmem>>, vector<16xi32>,
        %gather3A_123 = tpu.vector_load_idx %arg5[%get3A_122] : memref<30522xi32, #tpu.memory_space<vmem>>[vector<16xi32>], vector<16xi32>,
        %shift_left3A_124 = arith.constant 16 : i32
        %shift_left3A_125 = vector.broadcast %shift_left3A_124 : i32 to vector<16xi32>
        %shift_left3A_126 = arith.shli %gather3A_123, %shift_left3A_125 : vector<16xi32>
        %bitcast3A_127 = vector.bitcast %shift_left3A_126 : vector<16xi32> to vector<16xf32>
        %and3A_128 = arith.andi %gather3A_123, %broadcast_in_dim3A_10 : vector<16xi32>
        %bitcast3A_129 = vector.bitcast %and3A_128 : vector<16xi32> to vector<16xf32>
        %add3A_130 = arith.addf %add3A_116, %bitcast3A_127 : vector<16xf32>
        %add3A_131 = arith.addf %add3A_117, %bitcast3A_129 : vector<16xf32>
        %scan3A_132 = arith.constant 3 : i32
        %scan3A_133 = arith.addi %scan3A_94, %scan3A_132 : i32
        %get3A_134 = arith.index_cast %scan3A_133 : i32 to index
        %get3A_135 = arith.index_cast %mul3A_72 : i32 to index
        %get3A_136 = tpu.vector_load %arg7[%get3A_134, %get3A_135] {strides = array<i32>} : memref<200x128xi32, #tpu.memory_space<vmem>>, vector<16xi32>,
        %gather3A_137 = tpu.vector_load_idx %arg5[%get3A_136] : memref<30522xi32, #tpu.memory_space<vmem>>[vector<16xi32>], vector<16xi32>,
        %shift_left3A_138 = arith.constant 16 : i32
        %shift_left3A_139 = vector.broadcast %shift_left3A_138 : i32 to vector<16xi32>
        %shift_left3A_140 = arith.shli %gather3A_137, %shift_left3A_139 : vector<16xi32>
        %bitcast3A_141 = vector.bitcast %shift_left3A_140 : vector<16xi32> to vector<16xf32>
        %and3A_142 = arith.andi %gather3A_137, %broadcast_in_dim3A_10 : vector<16xi32>
        %bitcast3A_143 = vector.bitcast %and3A_142 : vector<16xi32> to vector<16xf32>
        %add3A_144 = arith.addf %add3A_130, %bitcast3A_141 : vector<16xf32>
        %add3A_145 = arith.addf %add3A_131, %bitcast3A_143 : vector<16xf32>
        %scan3A_146 = arith.constant 4 : i32
        %scan3A_147 = arith.addi %scan3A_94, %scan3A_146 : i32
        %get3A_148 = arith.index_cast %scan3A_147 : i32 to index
        %get3A_149 = arith.index_cast %mul3A_72 : i32 to index
        %get3A_150 = tpu.vector_load %arg7[%get3A_148, %get3A_149] {strides = array<i32>} : memref<200x128xi32, #tpu.memory_space<vmem>>, vector<16xi32>,
        %gather3A_151 = tpu.vector_load_idx %arg5[%get3A_150] : memref<30522xi32, #tpu.memory_space<vmem>>[vector<16xi32>], vector<16xi32>,
        %shift_left3A_152 = arith.constant 16 : i32
        %shift_left3A_153 = vector.broadcast %shift_left3A_152 : i32 to vector<16xi32>
        %shift_left3A_154 = arith.shli %gather3A_151, %shift_left3A_153 : vector<16xi32>
        %bitcast3A_155 = vector.bitcast %shift_left3A_154 : vector<16xi32> to vector<16xf32>
        %and3A_156 = arith.andi %gather3A_151, %broadcast_in_dim3A_10 : vector<16xi32>
        %bitcast3A_157 = vector.bitcast %and3A_156 : vector<16xi32> to vector<16xf32>
        %add3A_158 = arith.addf %add3A_144, %bitcast3A_155 : vector<16xf32>
        %add3A_159 = arith.addf %add3A_145, %bitcast3A_157 : vector<16xf32>
        %scan3A_160 = arith.constant 5 : i32
        %scan3A_161 = arith.addi %scan3A_94, %scan3A_160 : i32
        %get3A_162 = arith.index_cast %scan3A_161 : i32 to index
        %get3A_163 = arith.index_cast %mul3A_72 : i32 to index
        %get3A_164 = tpu.vector_load %arg7[%get3A_162, %get3A_163] {strides = array<i32>} : memref<200x128xi32, #tpu.memory_space<vmem>>, vector<16xi32>,
        %gather3A_165 = tpu.vector_load_idx %arg5[%get3A_164] : memref<30522xi32, #tpu.memory_space<vmem>>[vector<16xi32>], vector<16xi32>,
        %shift_left3A_166 = arith.constant 16 : i32
        %shift_left3A_167 = vector.broadcast %shift_left3A_166 : i32 to vector<16xi32>
        %shift_left3A_168 = arith.shli %gather3A_165, %shift_left3A_167 : vector<16xi32>
        %bitcast3A_169 = vector.bitcast %shift_left3A_168 : vector<16xi32> to vector<16xf32>
        %and3A_170 = arith.andi %gather3A_165, %broadcast_in_dim3A_10 : vector<16xi32>
        %bitcast3A_171 = vector.bitcast %and3A_170 : vector<16xi32> to vector<16xf32>
        %add3A_172 = arith.addf %add3A_158, %bitcast3A_169 : vector<16xf32>
        %add3A_173 = arith.addf %add3A_159, %bitcast3A_171 : vector<16xf32>
        %scan3A_174 = arith.constant 6 : i32
        %scan3A_175 = arith.addi %scan3A_94, %scan3A_174 : i32
        %get3A_176 = arith.index_cast %scan3A_175 : i32 to index
        %get3A_177 = arith.index_cast %mul3A_72 : i32 to index
        %get3A_178 = tpu.vector_load %arg7[%get3A_176, %get3A_177] {strides = array<i32>} : memref<200x128xi32, #tpu.memory_space<vmem>>, vector<16xi32>,
        %gather3A_179 = tpu.vector_load_idx %arg5[%get3A_178] : memref<30522xi32, #tpu.memory_space<vmem>>[vector<16xi32>], vector<16xi32>,
        %shift_left3A_180 = arith.constant 16 : i32
        %shift_left3A_181 = vector.broadcast %shift_left3A_180 : i32 to vector<16xi32>
        %shift_left3A_182 = arith.shli %gather3A_179, %shift_left3A_181 : vector<16xi32>
        %bitcast3A_183 = vector.bitcast %shift_left3A_182 : vector<16xi32> to vector<16xf32>
        %and3A_184 = arith.andi %gather3A_179, %broadcast_in_dim3A_10 : vector<16xi32>
        %bitcast3A_185 = vector.bitcast %and3A_184 : vector<16xi32> to vector<16xf32>
        %add3A_186 = arith.addf %add3A_172, %bitcast3A_183 : vector<16xf32>
        %add3A_187 = arith.addf %add3A_173, %bitcast3A_185 : vector<16xf32>
        %scan3A_188 = arith.constant 7 : i32
        %scan3A_189 = arith.addi %scan3A_94, %scan3A_188 : i32
        %get3A_190 = arith.index_cast %scan3A_189 : i32 to index
        %get3A_191 = arith.index_cast %mul3A_72 : i32 to index
        %get3A_192 = tpu.vector_load %arg7[%get3A_190, %get3A_191] {strides = array<i32>} : memref<200x128xi32, #tpu.memory_space<vmem>>, vector<16xi32>,
        %gather3A_193 = tpu.vector_load_idx %arg5[%get3A_192] : memref<30522xi32, #tpu.memory_space<vmem>>[vector<16xi32>], vector<16xi32>,
        %shift_left3A_194 = arith.constant 16 : i32
        %shift_left3A_195 = vector.broadcast %shift_left3A_194 : i32 to vector<16xi32>
        %shift_left3A_196 = arith.shli %gather3A_193, %shift_left3A_195 : vector<16xi32>
        %bitcast3A_197 = vector.bitcast %shift_left3A_196 : vector<16xi32> to vector<16xf32>
        %and3A_198 = arith.andi %gather3A_193, %broadcast_in_dim3A_10 : vector<16xi32>
        %bitcast3A_199 = vector.bitcast %and3A_198 : vector<16xi32> to vector<16xf32>
        %add3A_200 = arith.addf %add3A_186, %bitcast3A_197 : vector<16xf32>
        %add3A_201 = arith.addf %add3A_187, %bitcast3A_199 : vector<16xf32>
        scf.yield %add3A_200, %add3A_201 : vector<16xf32>, vector<16xf32>
      }
      %scan3A_78 = arith.constant 200 : i32
      %add3A_79 = arith.constant 24 : i32
      %add3A_80 = arith.addi %add3A_79, %scan3A_70 : i32
      %mul3A_81 = arith.constant 16 : i32
      %mul3A_82 = arith.muli %add3A_80, %mul3A_81 : i32
      %iota3A = tpu.iota {dimensions = array<i32: 0>} : vector<16xi32>
      %add3A_83 = vector.broadcast %mul3A_82 : i32 to vector<16xi32>
      %add3A_84 = arith.addi %add3A_83, %iota3A : vector<16xi32>
      %mul3A_85 = arith.constant 5.000000e-03 : f32
      %mul3A_86 = vector.broadcast %mul3A_85 : f32 to vector<16xf32>
      %mul3A_87 = arith.mulf %scan3A_77#0, %mul3A_86 : vector<16xf32>
      tpu.vector_store_idx %arg8[%add3A_84], %mul3A_87 : memref<1024xf32, #tpu.memory_space<vmem>>[vector<16xi32>], vector<16xf32>,
      %add3A_88 = arith.constant 512 : i32
      %add3A_89 = vector.broadcast %add3A_88 : i32 to vector<16xi32>
      %add3A_90 = arith.addi %add3A_84, %add3A_89 : vector<16xi32>
      %mul3A_91 = arith.constant 5.000000e-03 : f32
      %mul3A_92 = vector.broadcast %mul3A_91 : f32 to vector<16xf32>
      %mul3A_93 = arith.mulf %scan3A_77#1, %mul3A_92 : vector<16xf32>
      tpu.vector_store_idx %arg8[%add3A_90], %mul3A_93 : memref<1024xf32, #tpu.memory_space<vmem>>[vector<16xi32>], vector<16xf32>,
    }
    %scan3A_68 = arith.constant 8 : i32
    %run_scoped3A = arith.constant 0 : i32
    "tpu.region"() ({
      %run_scoped3A_70 = tpu.sem_alloc : memref<!tpu.dma_semaphore, #tpu.memory_space<semaphore_mem>>
      %dma_start3A_71 = arith.constant 0 : i32
      %dma_start3A_72 = tpu.memref_slice %arg8[%dma_start3A_71] : memref<1024xf32, #tpu.memory_space<vmem>> -> memref<512xf32, #tpu.memory_space<vmem>>
      %dma_start3A_73 = tpu.memref_slice %arg4[%run_scoped3A, %mul3A_2] : memref<2x16384xf32, #tpu.memory_space<hbm>> -> memref<1x512xf32, #tpu.memory_space<hbm>>
      %dma_start3A_74 = tpu.memref_squeeze %dma_start3A_73 : memref<1x512xf32, #tpu.memory_space<hbm>> -> memref<512xf32, #tpu.memory_space<hbm>>
      %dma_start3A_75 = tpu.memref_slice %arg4[%run_scoped3A, %mul3A_2] : memref<2x16384xf32, #tpu.memory_space<hbm>> -> memref<1x512xf32, #tpu.memory_space<hbm>>
      %dma_start3A_76 = tpu.memref_squeeze %dma_start3A_75 : memref<1x512xf32, #tpu.memory_space<hbm>> -> memref<512xf32, #tpu.memory_space<hbm>>
      %dma_start3A_77 = arith.constant 0 : i32
      %dma_start3A_78 = tpu.memref_slice %arg8[%dma_start3A_77] : memref<1024xf32, #tpu.memory_space<vmem>> -> memref<512xf32, #tpu.memory_space<vmem>>
      tpu.enqueue_dma source(%dma_start3A_78 : memref<512xf32, #tpu.memory_space<vmem>>) target(%dma_start3A_76 : memref<512xf32, #tpu.memory_space<hbm>>) target_semaphore(%run_scoped3A_70 : memref<!tpu.dma_semaphore, #tpu.memory_space<semaphore_mem>>)
      %dma_wait3A_79 = arith.constant 0 : i32
      %dma_wait3A_80 = tpu.memref_slice %arg8[%dma_wait3A_79] : memref<1024xf32, #tpu.memory_space<vmem>> -> memref<512xf32, #tpu.memory_space<vmem>>
      %dma_wait3A_81 = tpu.memref_slice %arg4[%run_scoped3A, %mul3A_2] : memref<2x16384xf32, #tpu.memory_space<hbm>> -> memref<1x512xf32, #tpu.memory_space<hbm>>
      %dma_wait3A_82 = tpu.memref_squeeze %dma_wait3A_81 : memref<1x512xf32, #tpu.memory_space<hbm>> -> memref<512xf32, #tpu.memory_space<hbm>>
      %dma_wait3A_83 = tpu.memref_slice %arg4[%run_scoped3A, %mul3A_2] : memref<2x16384xf32, #tpu.memory_space<hbm>> -> memref<1x512xf32, #tpu.memory_space<hbm>>
      %dma_wait3A_84 = tpu.memref_squeeze %dma_wait3A_83 : memref<1x512xf32, #tpu.memory_space<hbm>> -> memref<512xf32, #tpu.memory_space<hbm>>
      %dma_wait3A_85 = arith.constant 0 : i32
      %dma_wait3A_86 = tpu.memref_slice %arg8[%dma_wait3A_85] : memref<1024xf32, #tpu.memory_space<vmem>> -> memref<512xf32, #tpu.memory_space<vmem>>
      tpu.wait_dma2 semaphore(%run_scoped3A_70 : memref<!tpu.dma_semaphore, #tpu.memory_space<semaphore_mem>>) src(%dma_wait3A_86 : memref<512xf32, #tpu.memory_space<vmem>>) dst(%dma_wait3A_84 : memref<512xf32, #tpu.memory_space<hbm>>)
      tpu.yield
    }) : () -> ()
    %run_scoped3A_69 = arith.constant 1 : i32
    "tpu.region"() ({
      %run_scoped3A_70 = tpu.sem_alloc : memref<!tpu.dma_semaphore, #tpu.memory_space<semaphore_mem>>
      %dma_start3A_71 = arith.constant 512 : i32
      %dma_start3A_72 = tpu.memref_slice %arg8[%dma_start3A_71] : memref<1024xf32, #tpu.memory_space<vmem>> -> memref<512xf32, #tpu.memory_space<vmem>>
      %dma_start3A_73 = tpu.memref_slice %arg4[%run_scoped3A_69, %mul3A_2] : memref<2x16384xf32, #tpu.memory_space<hbm>> -> memref<1x512xf32, #tpu.memory_space<hbm>>
      %dma_start3A_74 = tpu.memref_squeeze %dma_start3A_73 : memref<1x512xf32, #tpu.memory_space<hbm>> -> memref<512xf32, #tpu.memory_space<hbm>>
      %dma_start3A_75 = tpu.memref_slice %arg4[%run_scoped3A_69, %mul3A_2] : memref<2x16384xf32, #tpu.memory_space<hbm>> -> memref<1x512xf32, #tpu.memory_space<hbm>>
      %dma_start3A_76 = tpu.memref_squeeze %dma_start3A_75 : memref<1x512xf32, #tpu.memory_space<hbm>> -> memref<512xf32, #tpu.memory_space<hbm>>
      %dma_start3A_77 = arith.constant 512 : i32
      %dma_start3A_78 = tpu.memref_slice %arg8[%dma_start3A_77] : memref<1024xf32, #tpu.memory_space<vmem>> -> memref<512xf32, #tpu.memory_space<vmem>>
      tpu.enqueue_dma source(%dma_start3A_78 : memref<512xf32, #tpu.memory_space<vmem>>) target(%dma_start3A_76 : memref<512xf32, #tpu.memory_space<hbm>>) target_semaphore(%run_scoped3A_70 : memref<!tpu.dma_semaphore, #tpu.memory_space<semaphore_mem>>)
      %dma_wait3A_79 = arith.constant 512 : i32
      %dma_wait3A_80 = tpu.memref_slice %arg8[%dma_wait3A_79] : memref<1024xf32, #tpu.memory_space<vmem>> -> memref<512xf32, #tpu.memory_space<vmem>>
      %dma_wait3A_81 = tpu.memref_slice %arg4[%run_scoped3A_69, %mul3A_2] : memref<2x16384xf32, #tpu.memory_space<hbm>> -> memref<1x512xf32, #tpu.memory_space<hbm>>
      %dma_wait3A_82 = tpu.memref_squeeze %dma_wait3A_81 : memref<1x512xf32, #tpu.memory_space<hbm>> -> memref<512xf32, #tpu.memory_space<hbm>>
      %dma_wait3A_83 = tpu.memref_slice %arg4[%run_scoped3A_69, %mul3A_2] : memref<2x16384xf32, #tpu.memory_space<hbm>> -> memref<1x512xf32, #tpu.memory_space<hbm>>
      %dma_wait3A_84 = tpu.memref_squeeze %dma_wait3A_83 : memref<1x512xf32, #tpu.memory_space<hbm>> -> memref<512xf32, #tpu.memory_space<hbm>>
      %dma_wait3A_85 = arith.constant 512 : i32
      %dma_wait3A_86 = tpu.memref_slice %arg8[%dma_wait3A_85] : memref<1024xf32, #tpu.memory_space<vmem>> -> memref<512xf32, #tpu.memory_space<vmem>>
      tpu.wait_dma2 semaphore(%run_scoped3A_70 : memref<!tpu.dma_semaphore, #tpu.memory_space<semaphore_mem>>) src(%dma_wait3A_86 : memref<512xf32, #tpu.memory_space<vmem>>) dst(%dma_wait3A_84 : memref<512xf32, #tpu.memory_space<hbm>>)
      tpu.yield
    }) : () -> ()
    return
  }
}

module attributes {stable_mosaic.version = 14 : i64} {
  func.func @_fold_body(%arg0: i32, %arg1: memref<64x15360xf32, #tpu.memory_space<vmem>>, %arg2: memref<2x64xf32, #tpu.memory_space<vmem>>, %arg3: memref<2x1xf32, #tpu.memory_space<vmem>>, %arg4: memref<1x15360xi32, #tpu.memory_space<vmem>>) attributes {dimension_semantics = [#tpu.dimension_semantics<arbitrary>], iteration_bounds = array<i64: 2>, scalar_prefetch = 0 : i64, scratch_operands = 0 : i64, tpu.core_type = #tpu.core_type<tc>, window_params = [{transform_indices = @transform_0, window_bounds = array<i64: 64, 15360>}, {pipeline_mode = #tpu.pipeline_mode<synchronous>, transform_indices = @transform_1, window_bounds = array<i64: 2, 64>}, {pipeline_mode = #tpu.pipeline_mode<synchronous>, transform_indices = @transform_2, window_bounds = array<i64: 2, 1>}, {transform_indices = @transform_3, window_bounds = array<i64: 1, 15360>}]} {
    %get3A = arith.constant 0 : index
    %get3A_0 = arith.constant 0 : index
    %get3A_1 = vector.load %arg2[%get3A, %get3A_0] : memref<2x64xf32, #tpu.memory_space<vmem>>, vector<2x64xf32>
    %get3A_2 = arith.constant 0 : index
    %get3A_3 = arith.constant 0 : index
    %get3A_4 = vector.load %arg1[%get3A_2, %get3A_3] : memref<64x15360xf32, #tpu.memory_space<vmem>>, vector<64x15360xf32>
    %dot_general3A = arith.constant dense<0.000000e+00> : vector<2x15360xf32>
    %dot_general3A_5 = tpu.matmul %get3A_1, %get3A_4, %dot_general3A {dimension_numbers = #tpu.dot_dimension_numbers<[1], [0], [0], [1], [0, 0, 1, 1], [], []>, transpose_lhs_hint = false} : vector<2x64xf32>, vector<64x15360xf32>, vector<2x15360xf32> -> vector<2x15360xf32>
    %get3A_6 = arith.constant 0 : index
    %get3A_7 = arith.constant 0 : index
    %get3A_8 = vector.load %arg3[%get3A_6, %get3A_7] : memref<2x1xf32, #tpu.memory_space<vmem>>, vector<2x1xf32>
    %add3A = vector.broadcast %get3A_8 : vector<2x1xf32> to vector<2x15360xf32>
    %add3A_9 = arith.addf %dot_general3A_5, %add3A : vector<2x15360xf32>
    %convert_element_type3A = arith.truncf %add3A_9 : vector<2x15360xf32> to vector<2x15360xbf16>
    %bitcast_convert_type3A = tpu.bitcast %convert_element_type3A : vector<2x15360xbf16> -> vector<2x15360xi16>
    %convert_element_type3A_10 = arith.extui %bitcast_convert_type3A : vector<2x15360xi16> to vector<2x15360xi32>
    %slice3A = vector.extract_strided_slice %convert_element_type3A_10 {offsets = [1, 0], sizes = [1, 15360], strides = [1, 1]} : vector<2x15360xi32> to vector<1x15360xi32>
    %shift_left3A = arith.constant 16 : i32
    %shift_left3A_11 = vector.broadcast %shift_left3A : i32 to vector<1x15360xi32>
    %shift_left3A_12 = arith.shli %slice3A, %shift_left3A_11 : vector<1x15360xi32>
    %slice3A_13 = vector.extract_strided_slice %convert_element_type3A_10 {offsets = [0, 0], sizes = [1, 15360], strides = [1, 1]} : vector<2x15360xi32> to vector<1x15360xi32>
    %or3A = arith.ori %shift_left3A_12, %slice3A_13 : vector<1x15360xi32>
    %bitcast_convert_type3A_14 = tpu.bitcast %or3A : vector<1x15360xi32> -> vector<1x15360xi32>
    %swap3A = arith.constant 0 : index
    %swap3A_15 = arith.constant 0 : index
    %swap3A_16 = vector.load %arg4[%swap3A, %swap3A_15] : memref<1x15360xi32, #tpu.memory_space<vmem>>, vector<1x15360xi32>
    tpu.vector_store %arg4[%swap3A, %swap3A_15], %bitcast_convert_type3A_14 {strides = array<i32>} : memref<1x15360xi32, #tpu.memory_space<vmem>>, vector<1x15360xi32>,
    return
  }
  func.func @transform_0(%arg0: i32) -> (i32, i32) {
    %c0_i32 = arith.constant 0 : i32
    %c0_i32_0 = arith.constant 0 : i32
    return %c0_i32, %arg0 : i32, i32
  }
  func.func @transform_1(%arg0: i32) -> (i32, i32) {
    %c0_i32 = arith.constant 0 : i32
    %c0_i32_0 = arith.constant 0 : i32
    %c0_i32_1 = arith.constant 0 : i32
    return %c0_i32, %c0_i32_0 : i32, i32
  }
  func.func @transform_2(%arg0: i32) -> (i32, i32) {
    %c0_i32 = arith.constant 0 : i32
    %c0_i32_0 = arith.constant 0 : i32
    %c0_i32_1 = arith.constant 0 : i32
    return %c0_i32, %c0_i32_0 : i32, i32
  }
  func.func @transform_3(%arg0: i32) -> (i32, i32) {
    %c0_i32 = arith.constant 0 : i32
    %c0_i32_0 = arith.constant 0 : i32
    return %c0_i32, %arg0 : i32, i32
  }
}

</mosaic_0001>

<sc_bundles>
// kernel: kernel.4.cloned.1.call-start
scs
__scs_entry_jumppad:
0x0: {  	(pc) =	sbr.rel $0x88, $3  }
0x1: {  	(tag) =	ssettag $0x0;
	lr =	simm.s32 $0x1  }
0x2: {  	[smem:$0x3F9D] =	sst lr;
	_ =	strace $0xD0000000  }
0x3: {  	_ = 	snop  }
0x4: {  	_ = 	snop  }
0x5: {  	_ = 	snop  }
0x6: {  	_ = 	snop  }
0x7: {  	_ = 	snop  }
__scs_overlays_trampoline_lowered:
0x8: {  	[smem:$0x3FAC] =	sst s0  }
0x9: {  	[smem:$0x3FAD] =	sst s1  }
0xa: {  	[smem:$0x3FAE] =	sst s2  }
0xb: {  	[smem:$0x3FAF] =	sst s3  }
0xc: {  	[smem:$0x3FB0] =	sst s4  }
0xd: {  	[smem:$0x3FB1] =	sst s5  }
0xe: {  	[smem:$0x3FB2] =	sst s6  }
0xf: {  	[smem:$0x3FB3] =	sst s7  }
0x10: {  	[smem:$0x3FB4] =	sst s8  }
0x11: {  	[smem:$0x3FB5] =	sst s9;
	s0 =	simm.s32 @!p0 $0x0  }
0x12: {  	s1 =	sld [smem:$0x3F9B];
	s0 =	simm.s32 @p0 $0x1  }
0x13: {  	[smem:$0x3FB6] =	sst s0;
	s0 =	simm.s32 @!p1 $0x0  }
0x14: {  	s2 =	sld [smem:$0x3F9A];
	s0 =	simm.s32 @p1 $0x1  }
0x15: {  	[smem:$0x3FB7] =	sst s0;
	s0 =	simm.s32 @!p2 $0x0  }
0x16: {  	s3 =	sld [smem:$0x3FDB];
	s0 =	simm.s32 @p2 $0x1  }
0x17: {  	s4 =	simm.s32 $0x1BF5;
	[smem:$0x3FB9] =	sst s0  }
0x18: {  	s0 =	sld [smem:$0x3F9C];
	_ =	swait.ge [sflag:s4], $0x0  }
0x19: {  	s7 =	sld [smem:$0x3F9D]  }
0x1a: {  	s8 =	sadd.s32 $0xFFFFE003, lr  }
0x1b: {  	s9 =	sadd.s32 $0xFFFFFEF7, lr;
	s5 =	simm.s32 $0xFFFFFFFF;
	p2 =	slt.u32 s8, $0xFFFFF086  }
0x1c: {  	p1 =	slt.u32 s9, $0xF7A;
	s5 =	simm.s32 @!p2 $0x0  }
0x1d: {  	s5 =	simm.s32 @p1 $0x1;
	p0 =	seq.s32 s7, s2  }
0x1e: {  	s7 =	smul.u32 @!p0 $0xF7A, s2;
	p2 =	seq.s32 @!p0 s5, $0x0  }
0x1f: {  	s9 =	smul.u32 $0xF7A, s1;
	s8 =	simm.s32 @!p0 $0x1BF5;
	p2 =	por !p2, p0  }
0x20: {  	[sflag:s8] =	ssyncset.s32 @!p0 $0xFFFFF086;
	s6 =	sadd.s32 @!p0 s3, s7;
	s7 =	simm.s32 @!p0 $0x108  }
0x21: {  	s3 =	sadd.s32 s3, s9;
	s6 =	sadd.s32 @!p0 $0x88, s6;
	s7 =	simm.s32 @p2 $0x1082  }
0x22: {  	[simem:s7], [sflag:s8] =	dma.local @!p0 [hbm:s6], $0xF7A  }
0x23: {  	s9 =	sor.u32 $0xD0000000, s2;
	s6 =	simm.s32 $0x108;
	_ =	swait.ge @!p0 [sflag:s8], $0x0  }
0x24: {  	s3 =	sadd.s32 $0x88, s3;
	s6 =	simm.s32 @!p1 $0x1082;
	[sflag:s4] =	ssyncset.s32 $0xFFFFF086  }
0x25: {  	[simem:s6], [sflag:s4] =	dma.local [hbm:s3], $0xF7A  }
0x26: {  	[smem:$0x3F9D] =	sst s1;
	(tag) =	ssettag s2;
	_ =	strace s9  }
0x27: {  	s1 =	sld [smem:$0x3FAD]  }
0x28: {  	s2 =	sld [smem:$0x3FAE]  }
0x29: {  	s4 =	sld [smem:$0x3FB0]  }
0x2a: {  	p0 =	seq.s32 s5, $0x0;
	s5 =	sld [smem:$0x3FB1]  }
0x2b: {  	s6 =	sld [smem:$0x3FB2]  }
0x2c: {  	s7 =	sld [smem:$0x3FB3]  }
0x2d: {  	s3 =	simm.s32 $0x108;
	s8 =	sld [smem:$0x3FB4]  }
0x2e: {  	s3 =	simm.s32 @!p0 $0x1082;
	s9 =	sld [smem:$0x3FB5]  }
0x2f: {  	lr =	sadd.s32 s0, s3;
	s0 =	sld [smem:$0x3FAC]  }
0x30: {  	s3 =	sld [smem:$0x3FAF]  }
0x31: {  	[smem:$0x3FB8] =	sst s10  }
0x32: {  	s10 =	sld [smem:$0x3FB6];
	_ =	sdelay $0x3  }
0x33: {  	p0 =	seq.s32 s10, $0x1;
	s10 =	sld [smem:$0x3FB8];
	_ =	sdelay $0x3  }
0x34: {  	[smem:$0x3FB8] =	sst s10  }
0x35: {  	s10 =	sld [smem:$0x3FB7];
	_ =	sdelay $0x3  }
0x36: {  	p1 =	seq.s32 s10, $0x1;
	s10 =	sld [smem:$0x3FB8];
	_ =	sdelay $0x3  }
0x37: {  	[smem:$0x3FB8] =	sst s10  }
0x38: {  	s10 =	sld [smem:$0x3FB9]  }
0x39: {  	_ = 	snop;
	(pc) =	sbr.ind lr, $3  }
0x3a: {  	_ = 	snop  }
0x3b: {  	_ = 	snop  }
0x3c: {  	p2 =	seq.s32 s10, $0x1;
	s10 =	sld [smem:$0x3FB8]  }
0x3d: {  	_ =	shalt  }
0x3e: {  	_ =	shalt  }
0x3f: {  	_ =	shalt  }
0x40: {  	_ =	shalt  }
0x41: {  	_ =	shalt  }
0x42: {  	_ =	shalt  }
0x43: {  	_ =	shalt  }
0x44: {  	_ =	shalt  }
0x45: {  	_ =	shalt  }
0x46: {  	_ =	shalt  }
0x47: {  	_ =	shalt  }
0x48: {  	_ =	shalt  }
0x49: {  	_ =	shalt  }
0x4a: {  	_ =	shalt  }
0x4b: {  	_ =	shalt  }
0x4c: {  	_ =	shalt  }
0x4d: {  	_ =	shalt  }
0x4e: {  	_ =	shalt  }
0x4f: {  	_ =	shalt  }
0x50: {  	_ =	shalt  }
0x51: {  	_ =	shalt  }
0x52: {  	_ =	shalt  }
0x53: {  	_ =	shalt  }
0x54: {  	_ =	shalt  }
0x55: {  	_ =	shalt  }
0x56: {  	_ =	shalt  }
0x57: {  	_ =	shalt  }
0x58: {  	_ =	shalt  }
0x59: {  	_ =	shalt  }
0x5a: {  	_ =	shalt  }
0x5b: {  	_ =	shalt  }
0x5c: {  	_ =	shalt  }
0x5d: {  	_ =	shalt  }
0x5e: {  	_ =	shalt  }
0x5f: {  	_ =	shalt  }
0x60: {  	_ =	shalt  }
0x61: {  	_ =	shalt  }
0x62: {  	_ =	shalt  }
0x63: {  	_ =	shalt  }
0x64: {  	_ =	shalt  }
0x65: {  	_ =	shalt  }
0x66: {  	_ =	shalt  }
0x67: {  	_ =	shalt  }
0x68: {  	_ =	shalt  }
0x69: {  	_ =	shalt  }
0x6a: {  	_ =	shalt  }
0x6b: {  	_ =	shalt  }
0x6c: {  	_ =	shalt  }
0x6d: {  	_ =	shalt  }
0x6e: {  	_ =	shalt  }
0x6f: {  	_ =	shalt  }
0x70: {  	_ =	shalt  }
0x71: {  	_ =	shalt  }
0x72: {  	_ =	shalt  }
0x73: {  	_ =	shalt  }
0x74: {  	_ =	shalt  }
0x75: {  	_ =	shalt  }
0x76: {  	_ =	shalt  }
0x77: {  	_ =	shalt  }
0x78: {  	_ =	shalt  }
0x79: {  	_ =	shalt  }
0x7a: {  	_ =	shalt  }
0x7b: {  	_ =	shalt  }
0x7c: {  	_ =	shalt  }
0x7d: {  	_ =	shalt  }
0x7e: {  	_ =	shalt  }
0x7f: {  	_ =	shalt  }
0x80: {  	_ =	shalt  }
0x81: {  	_ =	shalt  }
0x82: {  	_ =	shalt  }
0x83: {  	_ =	shalt  }
0x84: {  	_ =	shalt  }
0x85: {  	_ =	shalt  }
0x86: {  	_ =	shalt  }
0x87: {  	_ =	shalt  }
.Lfunc_end0:
.L_simem_size_0:
called_computation_lowered:
.L_overlay_start_0:
0x88: {  	s2 =	sld [smem:$0x3FD9]  }
0x89: {  	s3 =	sld [smem:$0x3FFE];
	_ =	sdelay $0x1  }
0x8a: {  	s1 =	srdreg.scid  }
0x8b: {  	s0 =	sand.u32 $0x1, s1  }
0x8c: {  	s17 =	sshll.u32 s0, $0xA;
	s2 =	sadd.s32 s3, s2  }
0x8d: {  	s2 =	sadd.s32 s2, s17  }
0x8e: {  	[smem:$0x3FC4] =	sst s2  }
0x8f: {  	_ = 	snop  }
0x90: {  	s2 =	sld [smem:$0x3FC9]  }
0x91: {  	s18 =	sld [smem:$0x3FD0];
	(tm) =	ssettm $0x1  }
0x92: {  	s4 =	sld [smem:$0x3FFB];
	_ =	sdelay $0x3  }
0x93: {  	_ =	strace s4  }
0x94: {  	s4 =	sld [smem:$0x3FFC];
	_ =	sdelay $0x3  }
0x95: {  	_ =	strace s4  }
0x96: {  	s4 =	sld [smem:$0x3FFD];
	_ =	sdelay $0x3  }
0x97: {  	_ =	strace s4  }
0x98: {  	_ =	strace $0x8FFFFFFF  }
0x99: {  	s19 =	sld [smem:$0x3FDB];
	_ =	sdelay $0x1  }
0x9a: {  	s5 =	simm.s32 $_scs_section_size  }
0x9b: {  	s6 =	simm.s32 $_size__tile_overlayer_lowered;
	s7 =	simm.s32 $_tile_overlayer_lowered  }
0x9c: {  	s22 =	simm.s32 $0x1BFF;
	s21 =	sshll.u32 s7, $0x1;
	s4 =	sadd.s32 s5, s19  }
0x9d: {  	s8 =	simm.s32 $0x0;
	s20 =	sshll.u32 s6, $0x1;
	s6 =	sadd.s32 s21, s4  }
0x9e: {  	[timem:s8], [sflag:s22] =	dma.local [hbm:s6], s20  }
0x9f: {  	_ =	swait.ge [sflag:s22], s20  }
0xa0: {  	s5 =	ssub.s32 $0x0, s20;
	[sflag:s22] =	ssyncset.done $0x0  }
0xa1: {  	[sflag:s22] =	ssyncadd.s32 s5;
	_ =	sdelay $0x1  }
0xa2: {  	s23 =	simm.s32 $0x1B8B  }
0xa3: {  	_ =	swait.ge [sflag:s23], $0x1  }
0xa4: {  	[sflag:s23] =	ssyncset.done $0x0  }
0xa5: {  	s25 =	simm.s32 $0x1B8E;
	s24 =	sld [smem:$0x3FFE];
	[sflag:s23] =	ssyncadd.s32 $0xFFFFFFFF  }
0xa6: {  	s26 =	simm.s32 $execute0_lowered;
	[smem:$0x3FD2] =	sst s25  }
0xa7: {  	s6 =	sshll.u32 s26, $0x1;
	_ =	strace $0x80000046;
	[dreg:$0x1] =	wrdreg $0xFFFFFFFF  }
0xa8: {  	s28 =	simm.s32 $_size_execute0_lowered;
	s4 =	sadd.s32 s4, s6;
	[dreg:$0x0] =	wrdreg $0x0  }
0xa9: {  	s6 =	sshll.u32 s28, $0x1;
	[dreg:$0x2] =	wrdreg s4  }
0xaa: {  	[dreg:$0x3] =	wrdreg s6  }
0xab: {  	[dreg:$0x4] =	wrdreg $0xC0  }
0xac: {  	_ =	task [dreg:s8], $0x5FFFF  }
0xad: {  	[dreg:$0x1] =	wrdreg $0xFFFFFFFF  }
0xae: {  	[dreg:$0x0] =	wrdreg $0x60  }
0xaf: {  	[dreg:$0x2] =	wrdreg s24  }
0xb0: {  	[dreg:$0x3] =	wrdreg s2  }
0xb1: {  	[dreg:$0x4] =	wrdreg s18  }
0xb2: {  	[dreg:$0x5] =	wrdreg $0x143800  }
0xb3: {  	[dreg:$0x6] =	wrdreg $0x9  }
0xb4: {  	_ =	task.clear_ibuf [dreg:s8], $0x7FFFF;
	_ =	strace $0x90000046  }
0xb5: {  	s29 =	simm.s32 $0x9;
	_ =	strace $0x80000048  }
0xb6: {  	_ =	swait.ge [sflag:s29], $0x1  }
0xb7: {  	[sflag:s29] =	ssyncadd.s32 $0xFFFFFFFF  }
0xb8: {  	_ =	strace $0x90000048  }
0xb9: {  	_ =	sfence  }
0xba: {  	s30 =	sld [smem:$0x0];
	_ =	sdelay $0x2  }
0xbb: {  	s31 =	sshll.u32 s1, $0xD;
	s1 =	sshrl.u32 s1, $0x2  }
0xbc: {  	s3 =	sand.u32 $0x4000, s31;
	s1 =	sadd.s32 s1, s30  }
0xbd: {  	s0 =	sor.u32 s3, s0;
	s1 =	sshll.u32 s1, $0x11  }
0xbe: {  	s0 =	sor.u32 s1, s0  }
0xbf: {  	s0 =	sadd.s32 $0x8F2B, s0  }
0xc0: {  	[sflag:s0] =	ssyncadd.remote.s32 $0x1  }
0xc1: {  	_ =	sfence.sel $0xFFFF  }
0xc2: {  	[dreg:$0x0] =	wrdreg $0xFFFFFFFF;
	(pc) =	sbr.abs _section_cstart, $3  }
0xc3: {  	[dreg:$0x1] =	wrdreg $0xFFFFFFFF  }
0xc4: {  	_ =	task.clear_ibuf [dreg:s8], $0x2FFFF;
	_ =	strace $0x9FFFFFFF  }
0xc5: {  	(tm) =	ssettm $0x7FFFFFFF  }
tec
execute0_lowered:
.L_overlay_start_1:
0x0: {  	(tag) =	ssettag $0x1  }
0x1: {  	s3 =	rddreg [dreg:$0x0]  }
0x2: {  	s4 =	rddreg [dreg:$0x1]  }
0x3: {  	s7 =	rddreg [dreg:$0x2]  }
0x4: {  	s1 =	rddreg [dreg:$0x3]  }
0x5: {  	s0 =	rddreg [dreg:$0x4]  }
0x6: {  	s2 =	simm.s32 $0x0;
	s5 =	srdreg.scid;
	s11 =	stileid.u32  }
0x7: {  	s12 =	simm.s32 $0x20000;
	s13 =	simm.s32 $0x7780;
	s15 =	simm.s32 $0x3  }
0x8: {  	s16 =	simm.s32 $0x1;
	s17 =	simm.s32 $0xDB80;
	s18 =	simm.s32 $0x13F80  }
0x9: {  	s19 =	simm.s32 $0x2;
	s20 =	simm.s32 $0x80;
	s21 =	simm.s32 $0x100  }
0xa: {  	s22 =	simm.s32 $0x4;
	s23 =	simm.s32 $0x14180;
	s24 =	simm.s32 $0x0  }
0xb: {  	[smem:$0x7FF] =	sst s2;
	s5 =	sand.u32 $0x1, s5;
	s8 =	sshll.u32 s11, $0xA  }
0xc: {  	s3 =	sadd.s32 $0xA00, s3;
	p0 =	sne.s32 s11, $0x0;
	s11 =	simm.s32 $0x400  }
0xd: {  	_ =	strace $0x80000047;
	s6 =	ssub.s32 $0x2, s5;
	s5 =	sshll.u32 s5, $0x9  }
0xe: {  	s14 =	sshrl.u32 @!p0 s1, $0x3;
	s9 =	sshrl.u32 s6, $0x1;
	s5 =	sor.u32 s5, s8  }
0xf: {  	s10 =	ssub.s32 s6, s9;
	s4 =	sadd.s32 s4, s5;
	s8 =	sshrl.u32 s5, $0x2  }
0x10: {  	v0 =	vlaneseq.u32;
	s5 =	sadd.s32 $0x80, s4;
	s6 =	sadd.s32 $0x100, s4;
	s7 =	sadd.s32 s7, s8  }
0x11: {  	v1 =	vor.u32 $0x200, v0;
	s8 =	sadd.s32 $0x180, s4;
	s10 =	smax.u32 s10, $0x1;
	s9 =	sadd.s32 $0x10, s7  }
.LBB2_1:
0x12: {  	[tilespmem:s13], [sflag:$0x1] =	stream.strided.gather [hbm4b:s4+s11], $0x6400, s12, s11, $0x38;
	[tilespmem:$0x14AF8] =	vst v63  }
0x13: {  	s25 =	simm.s32 @!p0 $0x1C04  }
0x14: {  	[spmem:s14], [sflag:s25] =	dma.local @!p0 [hbm:s3], $0xEF0  }
0x15: {  	s25 =	simm.s32 @!p0 $0x4  }
0x16: {  	_ =	swait.ge @!p0 [sflag:s25], $0xEF0  }
0x17: {  	[sflag:s25] =	ssyncset.done @!p0 $0x0  }
0x18: {  	[sflag:s25] =	ssyncadd.s32 @!p0 $0xFFFFF110  }
0x19: {  	[bflag:$0x0] =	sbarrier.arrive $0xFFFF  }
0x1a: {  	[tilespmem:s2], [sflag:$0x3] =	stream.linear.gather [spmem:s1], $0x7780, $0x38;
	[tilespmem:$0x14AF8] =	vst v63  }
0x1b: {  	_ =	swait.ge [sflag:s15], $0x7780  }
0x1c: {  	[sflag:s15] =	ssyncset.done $0x0  }
0x1d: {  	[sflag:s15] =	ssyncadd.s32 $0xFFFF8880  }
0x1e: {  	_ =	swait.ge [sflag:s16], $0x6400  }
0x1f: {  	[sflag:s16] =	ssyncset.done $0x0  }
0x20: {  	s26 =	simm.s32 $0x0;
	s25 =	simm.s32 $0x7980;
	[sflag:s16] =	ssyncadd.s32 $0xFFFF9C00  }
0x21: {  	[tilespmem:s17], [sflag:$0x2] =	stream.strided.gather [hbm4b:s5+s11], $0x6400, s12, s11, $0x38;
	[tilespmem:$0x14AF8] =	vst v63  }
.LBB2_2:
0x22: {  	v2 =	vld [tilespmem:s25+$0xFFFFFE00]  }
0x23: {  	v3 =	vld [tilespmem:s25+$0xFFFFFE80];
	_ =	sdelay $0x1  }
0x24: {  	v6 =	vld [tilespmem:s25+$0xFFFFFF00];
	_ =	sdelay $0x1  }
0x25: {  	v8 =	vld [tilespmem:s25+$0xFFFFFF80]  }
0x26: {  	v5 =	vld [tilespmem:s25+$0x0]  }
0x27: {  	v4 =	vld [tilespmem:s25+$0x80]  }
0x28: {  	v11 =	vld.idx.msk [tilespmem:v2+s2+$0x0], $0xffff  }
0x29: {  	v7 =	vld.idx.msk [tilespmem:v3+s2+$0x0], $0xffff  }
0x2a: {  	v3 =	vld [tilespmem:s25+$0x100]  }
0x2b: {  	v6 =	vld.idx.msk [tilespmem:v6+s2+$0x0], $0xffff  }
0x2c: {  	v9 =	vimm.f32 $0.0e+00;
	v2 =	vld [tilespmem:s25+$0x180]  }
0x2d: {  	s28 =	sshll.u32 s26, $0x4;
	s29 =	simm.s32 $0x0;
	s30 =	sadd.s32 $0x400, s25;
	v8 =	vld.idx.msk [tilespmem:v8+s2+$0x0], $0xffff;
	v10 =	vshll.u32 v11, $0x10;
	v12 =	vand.u32 $0xFFFF0000, v11;
	v11 =	vimm.f32 $0.0e+00  }
.LBB2_3:
0x2e: {  	v13 =	vld [tilespmem:s30+$0xFFFFFE00];
	v9 =	vadd.f32 v10, v9;
	v10 =	vadd.f32 v12, v11  }
0x2f: {  	s29 =	sadd.s32 $0x8, s29;
	v11 =	vshll.u32 v7, $0x10;
	v7 =	vand.u32 $0xFFFF0000, v7;
	v5 =	vld.idx.msk [tilespmem:v5+s2+$0x0], $0xffff  }
0x30: {  	p1 =	slt.u32 s29, $0xC0;
	v12 =	vld [tilespmem:s30+$0xFFFFFE80];
	v9 =	vadd.f32 v11, v9;
	v7 =	vadd.f32 v7, v10  }
0x31: {  	v10 =	vshll.u32 v6, $0x10;
	v6 =	vand.u32 $0xFFFF0000, v6;
	v4 =	vld.idx.msk [tilespmem:v4+s2+$0x0], $0xffff  }
0x32: {  	v11 =	vld [tilespmem:s30+$0xFFFFFF00];
	v9 =	vadd.f32 v10, v9;
	v6 =	vadd.f32 v6, v7  }
0x33: {  	v7 =	vshll.u32 v8, $0x10;
	v8 =	vand.u32 $0xFFFF0000, v8;
	v3 =	vld.idx.msk [tilespmem:v3+s2+$0x0], $0xffff  }
0x34: {  	v14 =	vld [tilespmem:s30+$0xFFFFFF80];
	v7 =	vadd.f32 v7, v9;
	v6 =	vadd.f32 v8, v6  }
0x35: {  	v8 =	vshll.u32 v5, $0x10;
	v9 =	vand.u32 $0xFFFF0000, v5;
	v2 =	vld.idx.msk [tilespmem:v2+s2+$0x0], $0xffff  }
0x36: {  	v5 =	vld [tilespmem:s30+$0x0];
	v7 =	vadd.f32 v8, v7;
	v6 =	vadd.f32 v9, v6  }
0x37: {  	v9 =	vshll.u32 v4, $0x10;
	v10 =	vand.u32 $0xFFFF0000, v4;
	v8 =	vld.idx.msk [tilespmem:v13+s2+$0x0], $0xffff  }
0x38: {  	v4 =	vld [tilespmem:s30+$0x80];
	v9 =	vadd.f32 v9, v7;
	v6 =	vadd.f32 v10, v6  }
.Ltmp0:
0x39: {  	v10 =	vshll.u32 v3, $0x10;
	v7 =	vld.idx.msk [tilespmem:v12+s2+$0x0], $0xffff;
	v12 =	vand.u32 $0xFFFF0000, v3;
	(pc) =	sbr.rel @p1 .LBB2_3-.Ltmp0, $4  }
0x3a: {  	v3 =	vld [tilespmem:s30+$0x100];
	v9 =	vadd.f32 v10, v9;
	v10 =	vadd.f32 v12, v6  }
0x3b: {  	v12 =	vand.u32 $0xFFFF0000, v2;
	v6 =	vld.idx.msk [tilespmem:v11+s2+$0x0], $0xffff;
	v11 =	vshll.u32 v2, $0x10  }
0x3c: {  	v2 =	vld [tilespmem:s30+$0x180];
	v9 =	vadd.f32 v11, v9;
	v11 =	vadd.f32 v12, v10  }
0x3d: {  	v10 =	vshll.u32 v8, $0x10;
	v12 =	vand.u32 $0xFFFF0000, v8;
	s30 =	sadd.s32 $0x400, s30;
	v8 =	vld.idx.msk [tilespmem:v14+s2+$0x0], $0xffff  }
0x3e: {  	_ =	sdelay $0x1  }
0x3f: {  	v9 =	vadd.f32 v10, v9  }
0x40: {  	v51 =	vadd.f32 v12, v11;
	v52 =	vshll.u32 v7, $0x10  }
0x41: {  	v53 =	vand.u32 $0xFFFF0000, v7;
	v5 =	vld.idx.msk [tilespmem:v5+s2+$0x0], $0xffff;
	v9 =	vadd.f32 v52, v9  }
0x42: {  	v7 =	vadd.f32 v53, v51;
	v54 =	vshll.u32 v6, $0x10  }
0x43: {  	v4 =	vld.idx.msk [tilespmem:v4+s2+$0x0], $0xffff;
	v55 =	vand.u32 $0xFFFF0000, v6;
	v9 =	vadd.f32 v54, v9  }
0x44: {  	v6 =	vadd.f32 v55, v7;
	v56 =	vshll.u32 v8, $0x10  }
0x45: {  	v3 =	vld.idx.msk [tilespmem:v3+s2+$0x0], $0xffff;
	v57 =	vand.u32 $0xFFFF0000, v8;
	v7 =	vadd.f32 v56, v9  }
0x46: {  	v58 =	vshll.u32 v5, $0x10;
	v6 =	vadd.f32 v57, v6  }
0x47: {  	v2 =	vld.idx.msk [tilespmem:v2+s2+$0x0], $0xffff;
	v5 =	vand.u32 $0xFFFF0000, v5;
	v7 =	vadd.f32 v58, v7  }
0x48: {  	v59 =	vshll.u32 v4, $0x10;
	v5 =	vadd.f32 v5, v6  }
0x49: {  	v4 =	vand.u32 $0xFFFF0000, v4;
	v6 =	vadd.f32 v59, v7  }
0x4a: {  	v60 =	vshll.u32 v3, $0x10;
	v4 =	vadd.f32 v4, v5  }
0x4b: {  	v3 =	vand.u32 $0xFFFF0000, v3;
	v5 =	vadd.f32 v60, v6  }
0x4c: {  	v62 =	vor.u32 s28, v0;
	s26 =	sadd.s32 $0x1, s26;
	v61 =	vshll.u32 v2, $0x10;
	v3 =	vadd.f32 v3, v4  }
0x4d: {  	v63 =	vor.u32 s28, v1;
	p1 =	sne.s32 s26, $0x8;
	v2 =	vand.u32 $0xFFFF0000, v2;
	v4 =	vadd.f32 v61, v5  }
.Ltmp1:
0x4e: {  	v2 =	vadd.f32 v2, v3;
	(pc) =	sbr.rel @p1 .LBB2_2-.Ltmp1, $4  }
0x4f: {  	v3 =	vmul.f32 $4.999999890e-03, v4  }
0x50: {  	v2 =	vmul.f32 $4.999999890e-03, v2  }
0x51: {  	[tilespmem:v62+s18+$0x0] =	vst.idx.msk $0xffff, v3  }
0x52: {  	s25 =	sadd.s32 $0x10, s25;
	[tilespmem:v63+s18+$0x0] =	vst.idx.msk $0xffff, v2  }
0x53: {  	_ =	swait.ge [sflag:s19], $0x6400  }
0x54: {  	[sflag:s19] =	ssyncset.done $0x0  }
0x55: {  	s25 =	simm.s32 $0x0;
	s26 =	simm.s32 $0xDD80;
	[sflag:s19] =	ssyncadd.s32 $0xFFFF9C00  }
0x56: {  	[tilespmem:s13], [sflag:$0x1] =	stream.strided.gather [hbm4b:s6+s11], $0x6400, s12, s11, $0x38;
	[tilespmem:$0x14AF8] =	vst v63  }
.LBB2_6:
0x57: {  	v2 =	vld [tilespmem:s26+$0xFFFFFE00]  }
0x58: {  	v3 =	vld [tilespmem:s26+$0xFFFFFE80];
	_ =	sdelay $0x1  }
0x59: {  	v6 =	vld [tilespmem:s26+$0xFFFFFF00];
	_ =	sdelay $0x1  }
0x5a: {  	v8 =	vld [tilespmem:s26+$0xFFFFFF80]  }
0x5b: {  	v5 =	vld [tilespmem:s26+$0x0]  }
0x5c: {  	v4 =	vld [tilespmem:s26+$0x80]  }
0x5d: {  	v11 =	vld.idx.msk [tilespmem:v2+s2+$0x0], $0xffff  }
0x5e: {  	v7 =	vld.idx.msk [tilespmem:v3+s2+$0x0], $0xffff  }
0x5f: {  	v3 =	vld [tilespmem:s26+$0x100]  }
0x60: {  	v6 =	vld.idx.msk [tilespmem:v6+s2+$0x0], $0xffff  }
0x61: {  	v9 =	vimm.f32 $0.0e+00;
	v2 =	vld [tilespmem:s26+$0x180]  }
0x62: {  	s28 =	sshll.u32 s25, $0x4;
	s29 =	simm.s32 $0x0;
	s30 =	sadd.s32 $0x400, s26;
	v8 =	vld.idx.msk [tilespmem:v8+s2+$0x0], $0xffff;
	v10 =	vshll.u32 v11, $0x10;
	v12 =	vand.u32 $0xFFFF0000, v11;
	v11 =	vimm.f32 $0.0e+00  }
.LBB2_7:
0x63: {  	v13 =	vld [tilespmem:s30+$0xFFFFFE00];
	v9 =	vadd.f32 v10, v9;
	v10 =	vadd.f32 v12, v11  }
0x64: {  	s29 =	sadd.s32 $0x8, s29;
	v11 =	vshll.u32 v7, $0x10;
	v7 =	vand.u32 $0xFFFF0000, v7;
	v5 =	vld.idx.msk [tilespmem:v5+s2+$0x0], $0xffff  }
0x65: {  	p1 =	slt.u32 s29, $0xC0;
	v12 =	vld [tilespmem:s30+$0xFFFFFE80];
	v9 =	vadd.f32 v11, v9;
	v7 =	vadd.f32 v7, v10  }
0x66: {  	v10 =	vshll.u32 v6, $0x10;
	v6 =	vand.u32 $0xFFFF0000, v6;
	v4 =	vld.idx.msk [tilespmem:v4+s2+$0x0], $0xffff  }
0x67: {  	v11 =	vld [tilespmem:s30+$0xFFFFFF00];
	v9 =	vadd.f32 v10, v9;
	v6 =	vadd.f32 v6, v7  }
0x68: {  	v7 =	vshll.u32 v8, $0x10;
	v8 =	vand.u32 $0xFFFF0000, v8;
	v3 =	vld.idx.msk [tilespmem:v3+s2+$0x0], $0xffff  }
0x69: {  	v14 =	vld [tilespmem:s30+$0xFFFFFF80];
	v7 =	vadd.f32 v7, v9;
	v6 =	vadd.f32 v8, v6  }
0x6a: {  	v8 =	vshll.u32 v5, $0x10;
	v9 =	vand.u32 $0xFFFF0000, v5;
	v2 =	vld.idx.msk [tilespmem:v2+s2+$0x0], $0xffff  }
0x6b: {  	v5 =	vld [tilespmem:s30+$0x0];
	v7 =	vadd.f32 v8, v7;
	v6 =	vadd.f32 v9, v6  }
0x6c: {  	v9 =	vshll.u32 v4, $0x10;
	v10 =	vand.u32 $0xFFFF0000, v4;
	v8 =	vld.idx.msk [tilespmem:v13+s2+$0x0], $0xffff  }
0x6d: {  	v4 =	vld [tilespmem:s30+$0x80];
	v9 =	vadd.f32 v9, v7;
	v6 =	vadd.f32 v10, v6  }
.Ltmp2:
0x6e: {  	v10 =	vshll.u32 v3, $0x10;
	v7 =	vld.idx.msk [tilespmem:v12+s2+$0x0], $0xffff;
	v12 =	vand.u32 $0xFFFF0000, v3;
	(pc) =	sbr.rel @p1 .LBB2_7-.Ltmp2, $4  }
0x6f: {  	v3 =	vld [tilespmem:s30+$0x100];
	v9 =	vadd.f32 v10, v9;
	v10 =	vadd.f32 v12, v6  }
0x70: {  	v12 =	vand.u32 $0xFFFF0000, v2;
	v6 =	vld.idx.msk [tilespmem:v11+s2+$0x0], $0xffff;
	v11 =	vshll.u32 v2, $0x10  }
0x71: {  	v2 =	vld [tilespmem:s30+$0x180];
	v9 =	vadd.f32 v11, v9;
	v11 =	vadd.f32 v12, v10  }
0x72: {  	v10 =	vshll.u32 v8, $0x10;
	v12 =	vand.u32 $0xFFFF0000, v8;
	s30 =	sadd.s32 $0x400, s30;
	v8 =	vld.idx.msk [tilespmem:v14+s2+$0x0], $0xffff  }
0x73: {  	_ =	sdelay $0x1  }
0x74: {  	v9 =	vadd.f32 v10, v9  }
0x75: {  	v51 =	vadd.f32 v12, v11;
	v52 =	vshll.u32 v7, $0x10  }
0x76: {  	v53 =	vand.u32 $0xFFFF0000, v7;
	v5 =	vld.idx.msk [tilespmem:v5+s2+$0x0], $0xffff;
	v9 =	vadd.f32 v52, v9  }
0x77: {  	v7 =	vadd.f32 v53, v51;
	v54 =	vshll.u32 v6, $0x10  }
0x78: {  	v4 =	vld.idx.msk [tilespmem:v4+s2+$0x0], $0xffff;
	v55 =	vand.u32 $0xFFFF0000, v6;
	v9 =	vadd.f32 v54, v9  }
0x79: {  	v6 =	vadd.f32 v55, v7;
	v56 =	vshll.u32 v8, $0x10  }
0x7a: {  	v3 =	vld.idx.msk [tilespmem:v3+s2+$0x0], $0xffff;
	v57 =	vand.u32 $0xFFFF0000, v8;
	v7 =	vadd.f32 v56, v9  }
0x7b: {  	v58 =	vshll.u32 v5, $0x10;
	v6 =	vadd.f32 v57, v6  }
0x7c: {  	v2 =	vld.idx.msk [tilespmem:v2+s2+$0x0], $0xffff;
	v5 =	vand.u32 $0xFFFF0000, v5;
	v7 =	vadd.f32 v58, v7  }
0x7d: {  	v59 =	vshll.u32 v4, $0x10;
	v5 =	vadd.f32 v5, v6  }
0x7e: {  	v4 =	vand.u32 $0xFFFF0000, v4;
	v6 =	vadd.f32 v59, v7  }
0x7f: {  	v60 =	vshll.u32 v3, $0x10;
	v4 =	vadd.f32 v4, v5  }
0x80: {  	s28 =	sor.u32 $0x80, s28;
	v3 =	vand.u32 $0xFFFF0000, v3;
	v5 =	vadd.f32 v60, v6  }
0x81: {  	s25 =	sadd.s32 $0x1, s25;
	v62 =	vor.u32 s28, v0;
	v61 =	vshll.u32 v2, $0x10;
	v3 =	vadd.f32 v3, v4  }
0x82: {  	v63 =	vor.u32 s28, v1;
	p1 =	sne.s32 s25, $0x8;
	v2 =	vand.u32 $0xFFFF0000, v2;
	v4 =	vadd.f32 v61, v5  }
.Ltmp3:
0x83: {  	v2 =	vadd.f32 v2, v3;
	(pc) =	sbr.rel @p1 .LBB2_6-.Ltmp3, $4  }
0x84: {  	v3 =	vmul.f32 $4.999999890e-03, v4  }
0x85: {  	v2 =	vmul.f32 $4.999999890e-03, v2  }
0x86: {  	[tilespmem:v62+s18+$0x0] =	vst.idx.msk $0xffff, v3  }
0x87: {  	s26 =	sadd.s32 $0x10, s26;
	[tilespmem:v63+s18+$0x0] =	vst.idx.msk $0xffff, v2  }
0x88: {  	_ =	swait.ge [sflag:s16], $0x6400  }
0x89: {  	[sflag:s16] =	ssyncset.done $0x0  }
0x8a: {  	s25 =	simm.s32 $0x0;
	s26 =	simm.s32 $0x7980;
	[sflag:s16] =	ssyncadd.s32 $0xFFFF9C00  }
0x8b: {  	[tilespmem:s17], [sflag:$0x2] =	stream.strided.gather [hbm4b:s8+s11], $0x6400, s12, s11, $0x38;
	[tilespmem:$0x14AF8] =	vst v63  }
.LBB2_10:
0x8c: {  	v2 =	vld [tilespmem:s26+$0xFFFFFE00]  }
0x8d: {  	v3 =	vld [tilespmem:s26+$0xFFFFFE80];
	_ =	sdelay $0x1  }
0x8e: {  	v6 =	vld [tilespmem:s26+$0xFFFFFF00];
	_ =	sdelay $0x1  }
0x8f: {  	v8 =	vld [tilespmem:s26+$0xFFFFFF80]  }
0x90: {  	v5 =	vld [tilespmem:s26+$0x0]  }
0x91: {  	v4 =	vld [tilespmem:s26+$0x80]  }
0x92: {  	v11 =	vld.idx.msk [tilespmem:v2+s2+$0x0], $0xffff  }
0x93: {  	v7 =	vld.idx.msk [tilespmem:v3+s2+$0x0], $0xffff  }
0x94: {  	v3 =	vld [tilespmem:s26+$0x100]  }
0x95: {  	v6 =	vld.idx.msk [tilespmem:v6+s2+$0x0], $0xffff  }
0x96: {  	v9 =	vimm.f32 $0.0e+00;
	v2 =	vld [tilespmem:s26+$0x180]  }
0x97: {  	s28 =	sshll.u32 s25, $0x4;
	s29 =	simm.s32 $0x0;
	s30 =	sadd.s32 $0x400, s26;
	v8 =	vld.idx.msk [tilespmem:v8+s2+$0x0], $0xffff;
	v10 =	vshll.u32 v11, $0x10;
	v12 =	vand.u32 $0xFFFF0000, v11;
	v11 =	vimm.f32 $0.0e+00  }
.LBB2_11:
0x98: {  	v13 =	vld [tilespmem:s30+$0xFFFFFE00];
	v9 =	vadd.f32 v10, v9;
	v10 =	vadd.f32 v12, v11  }
0x99: {  	s29 =	sadd.s32 $0x8, s29;
	v11 =	vshll.u32 v7, $0x10;
	v7 =	vand.u32 $0xFFFF0000, v7;
	v5 =	vld.idx.msk [tilespmem:v5+s2+$0x0], $0xffff  }
0x9a: {  	p1 =	slt.u32 s29, $0xC0;
	v12 =	vld [tilespmem:s30+$0xFFFFFE80];
	v9 =	vadd.f32 v11, v9;
	v7 =	vadd.f32 v7, v10  }
0x9b: {  	v10 =	vshll.u32 v6, $0x10;
	v6 =	vand.u32 $0xFFFF0000, v6;
	v4 =	vld.idx.msk [tilespmem:v4+s2+$0x0], $0xffff  }
0x9c: {  	v11 =	vld [tilespmem:s30+$0xFFFFFF00];
	v9 =	vadd.f32 v10, v9;
	v6 =	vadd.f32 v6, v7  }
0x9d: {  	v7 =	vshll.u32 v8, $0x10;
	v8 =	vand.u32 $0xFFFF0000, v8;
	v3 =	vld.idx.msk [tilespmem:v3+s2+$0x0], $0xffff  }
0x9e: {  	v14 =	vld [tilespmem:s30+$0xFFFFFF80];
	v7 =	vadd.f32 v7, v9;
	v6 =	vadd.f32 v8, v6  }
0x9f: {  	v8 =	vshll.u32 v5, $0x10;
	v9 =	vand.u32 $0xFFFF0000, v5;
	v2 =	vld.idx.msk [tilespmem:v2+s2+$0x0], $0xffff  }
0xa0: {  	v5 =	vld [tilespmem:s30+$0x0];
	v7 =	vadd.f32 v8, v7;
	v6 =	vadd.f32 v9, v6  }
0xa1: {  	v9 =	vshll.u32 v4, $0x10;
	v10 =	vand.u32 $0xFFFF0000, v4;
	v8 =	vld.idx.msk [tilespmem:v13+s2+$0x0], $0xffff  }
0xa2: {  	v4 =	vld [tilespmem:s30+$0x80];
	v9 =	vadd.f32 v9, v7;
	v6 =	vadd.f32 v10, v6  }
.Ltmp4:
0xa3: {  	v10 =	vshll.u32 v3, $0x10;
	v7 =	vld.idx.msk [tilespmem:v12+s2+$0x0], $0xffff;
	v12 =	vand.u32 $0xFFFF0000, v3;
	(pc) =	sbr.rel @p1 .LBB2_11-.Ltmp4, $4  }
0xa4: {  	v3 =	vld [tilespmem:s30+$0x100];
	v9 =	vadd.f32 v10, v9;
	v10 =	vadd.f32 v12, v6  }
0xa5: {  	v12 =	vand.u32 $0xFFFF0000, v2;
	v6 =	vld.idx.msk [tilespmem:v11+s2+$0x0], $0xffff;
	v11 =	vshll.u32 v2, $0x10  }
0xa6: {  	v2 =	vld [tilespmem:s30+$0x180];
	v9 =	vadd.f32 v11, v9;
	v11 =	vadd.f32 v12, v10  }
0xa7: {  	v10 =	vshll.u32 v8, $0x10;
	v12 =	vand.u32 $0xFFFF0000, v8;
	s30 =	sadd.s32 $0x400, s30;
	v8 =	vld.idx.msk [tilespmem:v14+s2+$0x0], $0xffff  }
0xa8: {  	_ =	sdelay $0x1  }
0xa9: {  	v9 =	vadd.f32 v10, v9  }
0xaa: {  	v51 =	vadd.f32 v12, v11;
	v52 =	vshll.u32 v7, $0x10  }
0xab: {  	v53 =	vand.u32 $0xFFFF0000, v7;
	v5 =	vld.idx.msk [tilespmem:v5+s2+$0x0], $0xffff;
	v9 =	vadd.f32 v52, v9  }
0xac: {  	v7 =	vadd.f32 v53, v51;
	v54 =	vshll.u32 v6, $0x10  }
0xad: {  	v4 =	vld.idx.msk [tilespmem:v4+s2+$0x0], $0xffff;
	v55 =	vand.u32 $0xFFFF0000, v6;
	v9 =	vadd.f32 v54, v9  }
0xae: {  	v6 =	vadd.f32 v55, v7;
	v56 =	vshll.u32 v8, $0x10  }
0xaf: {  	v3 =	vld.idx.msk [tilespmem:v3+s2+$0x0], $0xffff;
	v57 =	vand.u32 $0xFFFF0000, v8;
	v7 =	vadd.f32 v56, v9  }
0xb0: {  	v58 =	vshll.u32 v5, $0x10;
	v6 =	vadd.f32 v57, v6  }
0xb1: {  	v2 =	vld.idx.msk [tilespmem:v2+s2+$0x0], $0xffff;
	v5 =	vand.u32 $0xFFFF0000, v5;
	v7 =	vadd.f32 v58, v7  }
0xb2: {  	v59 =	vshll.u32 v4, $0x10;
	v5 =	vadd.f32 v5, v6  }
0xb3: {  	v4 =	vand.u32 $0xFFFF0000, v4;
	v6 =	vadd.f32 v59, v7  }
0xb4: {  	v60 =	vshll.u32 v3, $0x10;
	v4 =	vadd.f32 v4, v5  }
0xb5: {  	s28 =	sor.u32 $0x100, s28;
	v3 =	vand.u32 $0xFFFF0000, v3;
	v5 =	vadd.f32 v60, v6  }
0xb6: {  	s25 =	sadd.s32 $0x1, s25;
	v62 =	vor.u32 s28, v0;
	v61 =	vshll.u32 v2, $0x10;
	v3 =	vadd.f32 v3, v4  }
0xb7: {  	v63 =	vor.u32 s28, v1;
	p1 =	sne.s32 s25, $0x8;
	v2 =	vand.u32 $0xFFFF0000, v2;
	v4 =	vadd.f32 v61, v5  }
.Ltmp5:
0xb8: {  	v2 =	vadd.f32 v2, v3;
	(pc) =	sbr.rel @p1 .LBB2_10-.Ltmp5, $4  }
0xb9: {  	v3 =	vmul.f32 $4.999999890e-03, v4  }
0xba: {  	v2 =	vmul.f32 $4.999999890e-03, v2  }
0xbb: {  	[tilespmem:v62+s18+$0x0] =	vst.idx.msk $0xffff, v3  }
0xbc: {  	s26 =	sadd.s32 $0x10, s26;
	[tilespmem:v63+s18+$0x0] =	vst.idx.msk $0xffff, v2  }
0xbd: {  	_ =	swait.ge [sflag:s19], $0x6400  }
0xbe: {  	[sflag:s19] =	ssyncset.done $0x0  }
0xbf: {  	s25 =	simm.s32 $0x0;
	s26 =	simm.s32 $0xDD80;
	[sflag:s19] =	ssyncadd.s32 $0xFFFF9C00  }
.LBB2_14:
0xc0: {  	v2 =	vld [tilespmem:s26+$0xFFFFFE00]  }
0xc1: {  	v3 =	vld [tilespmem:s26+$0xFFFFFE80];
	_ =	sdelay $0x1  }
0xc2: {  	v6 =	vld [tilespmem:s26+$0xFFFFFF00];
	_ =	sdelay $0x1  }
0xc3: {  	v8 =	vld [tilespmem:s26+$0xFFFFFF80]  }
0xc4: {  	v5 =	vld [tilespmem:s26+$0x0]  }
0xc5: {  	v4 =	vld [tilespmem:s26+$0x80]  }
0xc6: {  	v11 =	vld.idx.msk [tilespmem:v2+s2+$0x0], $0xffff  }
0xc7: {  	v7 =	vld.idx.msk [tilespmem:v3+s2+$0x0], $0xffff  }
0xc8: {  	v3 =	vld [tilespmem:s26+$0x100]  }
0xc9: {  	v6 =	vld.idx.msk [tilespmem:v6+s2+$0x0], $0xffff  }
0xca: {  	v9 =	vimm.f32 $0.0e+00;
	v2 =	vld [tilespmem:s26+$0x180]  }
0xcb: {  	s28 =	sshll.u32 s25, $0x4;
	s29 =	simm.s32 $0x0;
	s30 =	sadd.s32 $0x400, s26;
	v8 =	vld.idx.msk [tilespmem:v8+s2+$0x0], $0xffff;
	v10 =	vshll.u32 v11, $0x10;
	v12 =	vand.u32 $0xFFFF0000, v11;
	v11 =	vimm.f32 $0.0e+00  }
.LBB2_15:
0xcc: {  	v13 =	vld [tilespmem:s30+$0xFFFFFE00];
	v9 =	vadd.f32 v10, v9;
	v10 =	vadd.f32 v12, v11  }
0xcd: {  	s29 =	sadd.s32 $0x8, s29;
	v11 =	vshll.u32 v7, $0x10;
	v7 =	vand.u32 $0xFFFF0000, v7;
	v5 =	vld.idx.msk [tilespmem:v5+s2+$0x0], $0xffff  }
0xce: {  	p1 =	slt.u32 s29, $0xC0;
	v12 =	vld [tilespmem:s30+$0xFFFFFE80];
	v9 =	vadd.f32 v11, v9;
	v7 =	vadd.f32 v7, v10  }
0xcf: {  	v10 =	vshll.u32 v6, $0x10;
	v6 =	vand.u32 $0xFFFF0000, v6;
	v4 =	vld.idx.msk [tilespmem:v4+s2+$0x0], $0xffff  }
0xd0: {  	v11 =	vld [tilespmem:s30+$0xFFFFFF00];
	v9 =	vadd.f32 v10, v9;
	v6 =	vadd.f32 v6, v7  }
0xd1: {  	v7 =	vshll.u32 v8, $0x10;
	v8 =	vand.u32 $0xFFFF0000, v8;
	v3 =	vld.idx.msk [tilespmem:v3+s2+$0x0], $0xffff  }
0xd2: {  	v14 =	vld [tilespmem:s30+$0xFFFFFF80];
	v7 =	vadd.f32 v7, v9;
	v6 =	vadd.f32 v8, v6  }
0xd3: {  	v8 =	vshll.u32 v5, $0x10;
	v9 =	vand.u32 $0xFFFF0000, v5;
	v2 =	vld.idx.msk [tilespmem:v2+s2+$0x0], $0xffff  }
0xd4: {  	v5 =	vld [tilespmem:s30+$0x0];
	v7 =	vadd.f32 v8, v7;
	v6 =	vadd.f32 v9, v6  }
0xd5: {  	v9 =	vshll.u32 v4, $0x10;
	v10 =	vand.u32 $0xFFFF0000, v4;
	v8 =	vld.idx.msk [tilespmem:v13+s2+$0x0], $0xffff  }
0xd6: {  	v4 =	vld [tilespmem:s30+$0x80];
	v9 =	vadd.f32 v9, v7;
	v6 =	vadd.f32 v10, v6  }
.Ltmp6:
0xd7: {  	v10 =	vshll.u32 v3, $0x10;
	v7 =	vld.idx.msk [tilespmem:v12+s2+$0x0], $0xffff;
	v12 =	vand.u32 $0xFFFF0000, v3;
	(pc) =	sbr.rel @p1 .LBB2_15-.Ltmp6, $4  }
0xd8: {  	v3 =	vld [tilespmem:s30+$0x100];
	v9 =	vadd.f32 v10, v9;
	v10 =	vadd.f32 v12, v6  }
0xd9: {  	v12 =	vand.u32 $0xFFFF0000, v2;
	v6 =	vld.idx.msk [tilespmem:v11+s2+$0x0], $0xffff;
	v11 =	vshll.u32 v2, $0x10  }
0xda: {  	v2 =	vld [tilespmem:s30+$0x180];
	v9 =	vadd.f32 v11, v9;
	v11 =	vadd.f32 v12, v10  }
0xdb: {  	v10 =	vshll.u32 v8, $0x10;
	v12 =	vand.u32 $0xFFFF0000, v8;
	s30 =	sadd.s32 $0x400, s30;
	v8 =	vld.idx.msk [tilespmem:v14+s2+$0x0], $0xffff  }
0xdc: {  	_ =	sdelay $0x1  }
0xdd: {  	v9 =	vadd.f32 v10, v9  }
0xde: {  	v51 =	vadd.f32 v12, v11;
	v52 =	vshll.u32 v7, $0x10  }
0xdf: {  	v53 =	vand.u32 $0xFFFF0000, v7;
	v5 =	vld.idx.msk [tilespmem:v5+s2+$0x0], $0xffff;
	v9 =	vadd.f32 v52, v9  }
0xe0: {  	v7 =	vadd.f32 v53, v51;
	v54 =	vshll.u32 v6, $0x10  }
0xe1: {  	v4 =	vld.idx.msk [tilespmem:v4+s2+$0x0], $0xffff;
	v55 =	vand.u32 $0xFFFF0000, v6;
	v9 =	vadd.f32 v54, v9  }
0xe2: {  	v6 =	vadd.f32 v55, v7;
	v56 =	vshll.u32 v8, $0x10  }
0xe3: {  	v3 =	vld.idx.msk [tilespmem:v3+s2+$0x0], $0xffff;
	v57 =	vand.u32 $0xFFFF0000, v8;
	v7 =	vadd.f32 v56, v9  }
0xe4: {  	v58 =	vshll.u32 v5, $0x10;
	v6 =	vadd.f32 v57, v6  }
0xe5: {  	v2 =	vld.idx.msk [tilespmem:v2+s2+$0x0], $0xffff;
	v5 =	vand.u32 $0xFFFF0000, v5;
	v7 =	vadd.f32 v58, v7  }
0xe6: {  	v59 =	vshll.u32 v4, $0x10;
	v5 =	vadd.f32 v5, v6  }
0xe7: {  	v4 =	vand.u32 $0xFFFF0000, v4;
	v6 =	vadd.f32 v59, v7  }
0xe8: {  	v60 =	vshll.u32 v3, $0x10;
	v4 =	vadd.f32 v4, v5  }
0xe9: {  	s28 =	sor.u32 $0x180, s28;
	v3 =	vand.u32 $0xFFFF0000, v3;
	v5 =	vadd.f32 v60, v6  }
0xea: {  	s25 =	sadd.s32 $0x1, s25;
	v62 =	vor.u32 s28, v0;
	v61 =	vshll.u32 v2, $0x10;
	v3 =	vadd.f32 v3, v4  }
0xeb: {  	v63 =	vor.u32 s28, v1;
	p1 =	sne.s32 s25, $0x8;
	v2 =	vand.u32 $0xFFFF0000, v2;
	v4 =	vadd.f32 v61, v5  }
.Ltmp7:
0xec: {  	v2 =	vadd.f32 v2, v3;
	(pc) =	sbr.rel @p1 .LBB2_14-.Ltmp7, $4  }
0xed: {  	v3 =	vmul.f32 $4.999999890e-03, v4  }
0xee: {  	v2 =	vmul.f32 $4.999999890e-03, v2  }
0xef: {  	[tilespmem:v62+s18+$0x0] =	vst.idx.msk $0xffff, v3  }
0xf0: {  	s26 =	sadd.s32 $0x10, s26;
	[tilespmem:v63+s18+$0x0] =	vst.idx.msk $0xffff, v2  }
0xf1: {  	[hbm4b:s7+s20] =	stream.strided.scatter [tilespmem:s18], [sflag:$0x4], $0x200, s21, s20, $0x38;
	[tilespmem:$0x14AF8] =	vst v63  }
0xf2: {  	s24 =	sadd.s32 $0x1, s24;
	_ =	swait.ge [sflag:s22], $0x200  }
0xf3: {  	p1 =	sne.s32 s24, s10;
	[sflag:s22] =	ssyncset.done $0x0  }
.Ltmp8:
0xf4: {  	[sflag:s22] =	ssyncadd.s32 $0xFFFFFE00;
	(pc) =	sbr.rel @p1 .LBB2_1-.Ltmp8, $4  }
0xf5: {  	[hbm4b:s9+s20] =	stream.strided.scatter [tilespmem:s23], [sflag:$0x4], $0x200, s21, s20, $0x38;
	[tilespmem:$0x14AF8] =	vst v63  }
0xf6: {  	_ =	swait.ge [sflag:s22], $0x200  }
0xf7: {  	[sflag:s22] =	ssyncset.done $0x0  }
0xf8: {  	[sflag:s22] =	ssyncadd.s32 $0xFFFFFE00  }
0xf9: {  	_ =	sfence.sel $0x180000  }
0xfa: {  	[bflag:$0x0] =	sbarrier.arrive $0xFFFF  }
0xfb: {  	_ =	strace $0x90000047  }
0xfc: {  	s0 =	sadd.s32 @!p0 $0x100000, s0;
	[bflag:$0x2] =	sbarrier.arrive $0xFFFF  }
0xfd: {  	[sflag:s0] =	ssyncadd.tile.s32 @!p0 $0x1;
	_ =	shalt  }
.Lfunc_end2:
_tile_overlayer_lowered:
.L_overlay_start_2:
0xfe: {  	(tag) =	ssettag $0x2  }
0xff: {  	s0 =	rddreg [dreg:$0x0];
	s2 =	stileid.u32  }
0x100: {  	s1 =	rddreg [dreg:$0x1];
	p0 =	sne.s32 s2, $0x0  }
0x101: {  	s3 =	rddreg [dreg:$0x2];
	[bflag:$0x3] =	sbarrier.arrive $0xFFFF;
	s2 =	simm.s32 @!p0 $0x1C04  }
0x102: {  	[timem:s3], [sflag:s2] =	dma.local @!p0 [hbm:s0], s1  }
0x103: {  	s0 =	simm.s32 @!p0 $0x4  }
0x104: {  	_ =	swait.ge @!p0 [sflag:s0], s1  }
0x105: {  	s1 =	ssub.s32 @!p0 $0x0, s1;
	[sflag:s0] =	ssyncset.done @!p0 $0x0  }
0x106: {  	[sflag:s0] =	ssyncadd.s32 @!p0 s1  }
0x107: {  	[bflag:$0x3] =	sbarrier.arrive $0xFFFF  }
0x108: {  	_ =	shalt  }

</sc_bundles>
